<compile_context>
chip_gen: v7x
topology: tpu7x:2x2x1
jax: 0.10.2.dev20260603
libtpu: 0.0.44.dev20260713+nightly
codegen_flags: <defaults>
</compile_context>

<pallas_src>
import functools

import jax
import jax.numpy as jnp
from jax import lax
from jax.experimental import pallas as pl
from jax.experimental.pallas import tpu as pltpu
from jax.experimental.pallas import tpu_sc as plsc

_B = 4
_S = 2048
_D = 128
_L = 16

_info = plsc.get_sparse_core_info()
_NC = _info.num_cores
_NS = _info.num_subcores
_NW = _NC * _NS
_SPW = _S // _NW


def _emb_body(x_hbm, tok_hbm, pos_hbm, out_hbm, idx_v, tok_v, pos_v,
              sem_i, sem_p, sem_g, sem_o):
    wid = lax.axis_index("s") * _NC + lax.axis_index("c")
    s0 = wid * _SPW

    cps_idx = [
        pltpu.async_copy(x_hbm.at[b, pl.ds(s0, _SPW)], idx_v.at[b], sem_i)
        for b in range(_B)
    ]
    cp_pos = pltpu.async_copy(pos_hbm.at[pl.ds(s0, _SPW)], pos_v, sem_p)
    cps_g = []
    for b in range(_B):
        cps_idx[b].wait()
        cps_g.append(
            pltpu.async_copy(tok_hbm.at[idx_v.at[b]], tok_v.at[b], sem_g)
        )
    cp_pos.wait()

    def _row(b, r0):
        def body(r, carry):
            for j in range(_D // _L):
                sl = pl.ds(j * _L, _L)
                plsc.addupdate(tok_v.at[b, r0 + r, sl], pos_v[r0 + r, sl])
            return carry
        return body

    cps_o = []
    for b in range(_B):
        cps_g[b].wait()
        if b < _B - 1:
            lax.fori_loop(0, _SPW, _row(b, 0), 0)
            cps_o.append(
                pltpu.async_copy(tok_v.at[b], out_hbm.at[b, pl.ds(s0, _SPW)],
                                 sem_o)
            )
        else:
            half = _SPW // 2
            for h in range(2):
                lax.fori_loop(0, half, _row(b, h * half), 0)
                cps_o.append(
                    pltpu.async_copy(
                        tok_v.at[b, pl.ds(h * half, half)],
                        out_hbm.at[b, pl.ds(s0 + h * half, half)],
                        sem_o,
                    )
                )
    for cp in cps_o:
        cp.wait()


_emb = functools.partial(
    pl.kernel,
    out_type=jax.ShapeDtypeStruct((_B, _S, _D), jnp.float32),
    mesh=plsc.VectorSubcoreMesh(core_axis_name="c", subcore_axis_name="s"),
    scratch_types=[
        pltpu.VMEM((_B, _SPW), jnp.int32),
        pltpu.VMEM((_B, _SPW, _D), jnp.float32),
        pltpu.VMEM((_SPW, _D), jnp.float32),
        pltpu.SemaphoreType.DMA,
        pltpu.SemaphoreType.DMA,
        pltpu.SemaphoreType.DMA,
        pltpu.SemaphoreType.DMA,
    ],
)(_emb_body)


@jax.jit
def kernel(x, tok_emb_weight, pos_emb_weight):
    return _emb(x.astype(jnp.int32), tok_emb_weight, pos_emb_weight)

# --- scband reference (transcript-rebuilt; emitter-appended) ---
"""Pipeline reference for scband-token-and-position-embedding-81423989997756 (READ-ONLY COPY).

The authoritative reference and input builder live on the scoring server;
editing this copy changes nothing except your own understanding.
"""

import jax, jax.numpy as jnp
import numpy as np

VOCAB_SIZE = 100000
MAX_SEQ_LEN = 2048
EMBED_DIM = 128
BATCH = 4
SEQ_LEN = 2048


def setup_inputs(seed: int = 0) -> dict:
    key = jax.random.key(seed)
    k_x, k_tok, k_pos = jax.random.split(key, 3)
    x = jax.random.randint(k_x, (BATCH, SEQ_LEN), 0, VOCAB_SIZE, dtype=jnp.int64 if jax.config.read('jax_enable_x64') else jnp.int32)
    tok_emb_weight = jax.random.normal(k_tok, (VOCAB_SIZE, EMBED_DIM), dtype=jnp.float32)
    pos_emb_weight = jax.random.normal(k_pos, (MAX_SEQ_LEN, EMBED_DIM), dtype=jnp.float32)
    return {"x": x, "tok_emb_weight": tok_emb_weight, "pos_emb_weight": pos_emb_weight}


def reference(x, tok_emb_weight, pos_emb_weight):
    # token embedding: gather rows of tok_emb_weight
    token_emb = jnp.take(tok_emb_weight, x, axis=0)  # [B, S, D]
    # position embedding: first S rows, broadcast over batch
    pos_emb = pos_emb_weight[: x.shape[1], :][None, :, :]  # [1, S, D]
    return token_emb + pos_emb

if __name__ == "__main__":
    import jax
    _d = setup_inputs()
    print(jax.jit(kernel)(*tuple(_d.values())))

</pallas_src>

<mosaic_0001>
#map = affine_map<(d0, d1) -> (0, 0)>
#map1 = affine_map<(d0, d1) -> (0, 0, 0)>
module attributes {stable_mosaic.version = 14 : i64} {
  func.func @_emb_body(%arg0: i32, %arg1: i32, %arg2: memref<4x2048xi32, #tpu.memory_space<hbm>>, %arg3: memref<100000x128xf32, #tpu.memory_space<hbm>>, %arg4: memref<2048x128xf32, #tpu.memory_space<hbm>>, %arg5: memref<4x2048x128xf32, #tpu.memory_space<hbm>>, %arg6: memref<4x64xi32, #tpu.memory_space<vmem>>, %arg7: memref<4x64x128xf32, #tpu.memory_space<vmem>>, %arg8: memref<64x128xf32, #tpu.memory_space<vmem>>, %arg9: memref<!tpu.dma_semaphore, #tpu.memory_space<semaphore_mem>>, %arg10: memref<!tpu.dma_semaphore, #tpu.memory_space<semaphore_mem>>, %arg11: memref<!tpu.dma_semaphore, #tpu.memory_space<semaphore_mem>>, %arg12: memref<!tpu.dma_semaphore, #tpu.memory_space<semaphore_mem>>) attributes {dimension_semantics = [#tpu.dimension_semantics<core_parallel>, #tpu.dimension_semantics<subcore_parallel>], iteration_bounds = array<i64: 2, 16>, scalar_prefetch = 0 : i64, scratch_operands = 7 : i64, tpu.core_type = #tpu.core_type<sc_vector_subcore>, window_params = [{transform_indices = #map}, {transform_indices = #map}, {transform_indices = #map}, {transform_indices = #map1}]} {
    %mul3A = arith.constant 2 : i32
    %mul3A_0 = arith.muli %arg1, %mul3A : i32
    %add3A = arith.addi %mul3A_0, %arg0 : i32
    %mul3A_1 = arith.constant 64 : i32
    %mul3A_2 = arith.muli %add3A, %mul3A_1 : i32
    %dma_start3A = arith.constant 0 : i32
    %dma_start3A_3 = arith.constant 0 : i32
    %dma_start3A_4 = arith.constant 0 : i32
    %dma_start3A_5 = tpu.memref_slice %arg6[%dma_start3A_3, %dma_start3A_4] : memref<4x64xi32, #tpu.memory_space<vmem>> -> memref<1x64xi32, #tpu.memory_space<vmem>>
    %dma_start3A_6 = tpu.memref_squeeze %dma_start3A_5 : memref<1x64xi32, #tpu.memory_space<vmem>> -> memref<64xi32, #tpu.memory_space<vmem>>
    %dma_start3A_7 = tpu.memref_slice %arg2[%dma_start3A, %mul3A_2] : memref<4x2048xi32, #tpu.memory_space<hbm>> -> memref<1x64xi32, #tpu.memory_space<hbm>>
    %dma_start3A_8 = tpu.memref_squeeze %dma_start3A_7 : memref<1x64xi32, #tpu.memory_space<hbm>> -> memref<64xi32, #tpu.memory_space<hbm>>
    %dma_start3A_9 = arith.constant 0 : i32
    %dma_start3A_10 = tpu.memref_slice %arg6[%dma_start3A_3, %dma_start3A_9] : memref<4x64xi32, #tpu.memory_space<vmem>> -> memref<1x64xi32, #tpu.memory_space<vmem>>
    %dma_start3A_11 = tpu.memref_squeeze %dma_start3A_10 : memref<1x64xi32, #tpu.memory_space<vmem>> -> memref<64xi32, #tpu.memory_space<vmem>>
    %dma_start3A_12 = tpu.memref_slice %arg2[%dma_start3A, %mul3A_2] : memref<4x2048xi32, #tpu.memory_space<hbm>> -> memref<1x64xi32, #tpu.memory_space<hbm>>
    %dma_start3A_13 = tpu.memref_squeeze %dma_start3A_12 : memref<1x64xi32, #tpu.memory_space<hbm>> -> memref<64xi32, #tpu.memory_space<hbm>>
    tpu.enqueue_dma source(%dma_start3A_13 : memref<64xi32, #tpu.memory_space<hbm>>) target(%dma_start3A_11 : memref<64xi32, #tpu.memory_space<vmem>>) target_semaphore(%arg9 : memref<!tpu.dma_semaphore, #tpu.memory_space<semaphore_mem>>)
    %dma_start3A_14 = arith.constant 1 : i32
    %dma_start3A_15 = arith.constant 1 : i32
    %dma_start3A_16 = arith.constant 0 : i32
    %dma_start3A_17 = tpu.memref_slice %arg6[%dma_start3A_15, %dma_start3A_16] : memref<4x64xi32, #tpu.memory_space<vmem>> -> memref<1x64xi32, #tpu.memory_space<vmem>>
    %dma_start3A_18 = tpu.memref_squeeze %dma_start3A_17 : memref<1x64xi32, #tpu.memory_space<vmem>> -> memref<64xi32, #tpu.memory_space<vmem>>
    %dma_start3A_19 = tpu.memref_slice %arg2[%dma_start3A_14, %mul3A_2] : memref<4x2048xi32, #tpu.memory_space<hbm>> -> memref<1x64xi32, #tpu.memory_space<hbm>>
    %dma_start3A_20 = tpu.memref_squeeze %dma_start3A_19 : memref<1x64xi32, #tpu.memory_space<hbm>> -> memref<64xi32, #tpu.memory_space<hbm>>
    %dma_start3A_21 = arith.constant 0 : i32
    %dma_start3A_22 = tpu.memref_slice %arg6[%dma_start3A_15, %dma_start3A_21] : memref<4x64xi32, #tpu.memory_space<vmem>> -> memref<1x64xi32, #tpu.memory_space<vmem>>
    %dma_start3A_23 = tpu.memref_squeeze %dma_start3A_22 : memref<1x64xi32, #tpu.memory_space<vmem>> -> memref<64xi32, #tpu.memory_space<vmem>>
    %dma_start3A_24 = tpu.memref_slice %arg2[%dma_start3A_14, %mul3A_2] : memref<4x2048xi32, #tpu.memory_space<hbm>> -> memref<1x64xi32, #tpu.memory_space<hbm>>
    %dma_start3A_25 = tpu.memref_squeeze %dma_start3A_24 : memref<1x64xi32, #tpu.memory_space<hbm>> -> memref<64xi32, #tpu.memory_space<hbm>>
    tpu.enqueue_dma source(%dma_start3A_25 : memref<64xi32, #tpu.memory_space<hbm>>) target(%dma_start3A_23 : memref<64xi32, #tpu.memory_space<vmem>>) target_semaphore(%arg9 : memref<!tpu.dma_semaphore, #tpu.memory_space<semaphore_mem>>)
    %dma_start3A_26 = arith.constant 2 : i32
    %dma_start3A_27 = arith.constant 2 : i32
    %dma_start3A_28 = arith.constant 0 : i32
    %dma_start3A_29 = tpu.memref_slice %arg6[%dma_start3A_27, %dma_start3A_28] : memref<4x64xi32, #tpu.memory_space<vmem>> -> memref<1x64xi32, #tpu.memory_space<vmem>>
    %dma_start3A_30 = tpu.memref_squeeze %dma_start3A_29 : memref<1x64xi32, #tpu.memory_space<vmem>> -> memref<64xi32, #tpu.memory_space<vmem>>
    %dma_start3A_31 = tpu.memref_slice %arg2[%dma_start3A_26, %mul3A_2] : memref<4x2048xi32, #tpu.memory_space<hbm>> -> memref<1x64xi32, #tpu.memory_space<hbm>>
    %dma_start3A_32 = tpu.memref_squeeze %dma_start3A_31 : memref<1x64xi32, #tpu.memory_space<hbm>> -> memref<64xi32, #tpu.memory_space<hbm>>
    %dma_start3A_33 = arith.constant 0 : i32
    %dma_start3A_34 = tpu.memref_slice %arg6[%dma_start3A_27, %dma_start3A_33] : memref<4x64xi32, #tpu.memory_space<vmem>> -> memref<1x64xi32, #tpu.memory_space<vmem>>
    %dma_start3A_35 = tpu.memref_squeeze %dma_start3A_34 : memref<1x64xi32, #tpu.memory_space<vmem>> -> memref<64xi32, #tpu.memory_space<vmem>>
    %dma_start3A_36 = tpu.memref_slice %arg2[%dma_start3A_26, %mul3A_2] : memref<4x2048xi32, #tpu.memory_space<hbm>> -> memref<1x64xi32, #tpu.memory_space<hbm>>
    %dma_start3A_37 = tpu.memref_squeeze %dma_start3A_36 : memref<1x64xi32, #tpu.memory_space<hbm>> -> memref<64xi32, #tpu.memory_space<hbm>>
    tpu.enqueue_dma source(%dma_start3A_37 : memref<64xi32, #tpu.memory_space<hbm>>) target(%dma_start3A_35 : memref<64xi32, #tpu.memory_space<vmem>>) target_semaphore(%arg9 : memref<!tpu.dma_semaphore, #tpu.memory_space<semaphore_mem>>)
    %dma_start3A_38 = arith.constant 3 : i32
    %dma_start3A_39 = arith.constant 3 : i32
    %dma_start3A_40 = arith.constant 0 : i32
    %dma_start3A_41 = tpu.memref_slice %arg6[%dma_start3A_39, %dma_start3A_40] : memref<4x64xi32, #tpu.memory_space<vmem>> -> memref<1x64xi32, #tpu.memory_space<vmem>>
    %dma_start3A_42 = tpu.memref_squeeze %dma_start3A_41 : memref<1x64xi32, #tpu.memory_space<vmem>> -> memref<64xi32, #tpu.memory_space<vmem>>
    %dma_start3A_43 = tpu.memref_slice %arg2[%dma_start3A_38, %mul3A_2] : memref<4x2048xi32, #tpu.memory_space<hbm>> -> memref<1x64xi32, #tpu.memory_space<hbm>>
    %dma_start3A_44 = tpu.memref_squeeze %dma_start3A_43 : memref<1x64xi32, #tpu.memory_space<hbm>> -> memref<64xi32, #tpu.memory_space<hbm>>
    %dma_start3A_45 = arith.constant 0 : i32
    %dma_start3A_46 = tpu.memref_slice %arg6[%dma_start3A_39, %dma_start3A_45] : memref<4x64xi32, #tpu.memory_space<vmem>> -> memref<1x64xi32, #tpu.memory_space<vmem>>
    %dma_start3A_47 = tpu.memref_squeeze %dma_start3A_46 : memref<1x64xi32, #tpu.memory_space<vmem>> -> memref<64xi32, #tpu.memory_space<vmem>>
    %dma_start3A_48 = tpu.memref_slice %arg2[%dma_start3A_38, %mul3A_2] : memref<4x2048xi32, #tpu.memory_space<hbm>> -> memref<1x64xi32, #tpu.memory_space<hbm>>
    %dma_start3A_49 = tpu.memref_squeeze %dma_start3A_48 : memref<1x64xi32, #tpu.memory_space<hbm>> -> memref<64xi32, #tpu.memory_space<hbm>>
    tpu.enqueue_dma source(%dma_start3A_49 : memref<64xi32, #tpu.memory_space<hbm>>) target(%dma_start3A_47 : memref<64xi32, #tpu.memory_space<vmem>>) target_semaphore(%arg9 : memref<!tpu.dma_semaphore, #tpu.memory_space<semaphore_mem>>)
    %dma_start3A_50 = arith.constant 0 : i32
    %dma_start3A_51 = tpu.memref_slice %arg4[%mul3A_2, %dma_start3A_50] : memref<2048x128xf32, #tpu.memory_space<hbm>> -> memref<64x128xf32, #tpu.memory_space<hbm>>
    %dma_start3A_52 = arith.constant 0 : i32
    %dma_start3A_53 = tpu.memref_slice %arg4[%mul3A_2, %dma_start3A_52] : memref<2048x128xf32, #tpu.memory_space<hbm>> -> memref<64x128xf32, #tpu.memory_space<hbm>>
    tpu.enqueue_dma source(%dma_start3A_53 : memref<64x128xf32, #tpu.memory_space<hbm>>) target(%arg8 : memref<64x128xf32, #tpu.memory_space<vmem>>) target_semaphore(%arg10 : memref<!tpu.dma_semaphore, #tpu.memory_space<semaphore_mem>>)
    %dma_wait3A = arith.constant 0 : i32
    %dma_wait3A_54 = arith.constant 0 : i32
    %dma_wait3A_55 = arith.constant 0 : i32
    %dma_wait3A_56 = tpu.memref_slice %arg6[%dma_wait3A_54, %dma_wait3A_55] : memref<4x64xi32, #tpu.memory_space<vmem>> -> memref<1x64xi32, #tpu.memory_space<vmem>>
    %dma_wait3A_57 = tpu.memref_squeeze %dma_wait3A_56 : memref<1x64xi32, #tpu.memory_space<vmem>> -> memref<64xi32, #tpu.memory_space<vmem>>
    %dma_wait3A_58 = tpu.memref_slice %arg2[%dma_wait3A, %mul3A_2] : memref<4x2048xi32, #tpu.memory_space<hbm>> -> memref<1x64xi32, #tpu.memory_space<hbm>>
    %dma_wait3A_59 = tpu.memref_squeeze %dma_wait3A_58 : memref<1x64xi32, #tpu.memory_space<hbm>> -> memref<64xi32, #tpu.memory_space<hbm>>
    %dma_wait3A_60 = arith.constant 0 : i32
    %dma_wait3A_61 = tpu.memref_slice %arg6[%dma_wait3A_54, %dma_wait3A_60] : memref<4x64xi32, #tpu.memory_space<vmem>> -> memref<1x64xi32, #tpu.memory_space<vmem>>
    %dma_wait3A_62 = tpu.memref_squeeze %dma_wait3A_61 : memref<1x64xi32, #tpu.memory_space<vmem>> -> memref<64xi32, #tpu.memory_space<vmem>>
    %dma_wait3A_63 = tpu.memref_slice %arg2[%dma_wait3A, %mul3A_2] : memref<4x2048xi32, #tpu.memory_space<hbm>> -> memref<1x64xi32, #tpu.memory_space<hbm>>
    %dma_wait3A_64 = tpu.memref_squeeze %dma_wait3A_63 : memref<1x64xi32, #tpu.memory_space<hbm>> -> memref<64xi32, #tpu.memory_space<hbm>>
    tpu.wait_dma2 semaphore(%arg9 : memref<!tpu.dma_semaphore, #tpu.memory_space<semaphore_mem>>) src(%dma_wait3A_64 : memref<64xi32, #tpu.memory_space<hbm>>) dst(%dma_wait3A_62 : memref<64xi32, #tpu.memory_space<vmem>>)
    %dma_start3A_65 = arith.constant 0 : i32
    %dma_start3A_66 = arith.constant 0 : i32
    %dma_start3A_67 = arith.constant 0 : i32
    %dma_start3A_68 = arith.constant 0 : i32
    %dma_start3A_69 = tpu.memref_slice %arg7[%dma_start3A_66, %dma_start3A_67, %dma_start3A_68] : memref<4x64x128xf32, #tpu.memory_space<vmem>> -> memref<1x64x128xf32, #tpu.memory_space<vmem>>
    %dma_start3A_70 = tpu.memref_squeeze %dma_start3A_69 : memref<1x64x128xf32, #tpu.memory_space<vmem>> -> memref<64x128xf32, #tpu.memory_space<vmem>>
    %dma_start3A_71 = arith.constant 0 : i32
    %dma_start3A_72 = tpu.memref_slice %arg6[%dma_start3A_65, %dma_start3A_71] : memref<4x64xi32, #tpu.memory_space<vmem>> -> memref<1x64xi32, #tpu.memory_space<vmem>>
    %dma_start3A_73 = tpu.memref_squeeze %dma_start3A_72 : memref<1x64xi32, #tpu.memory_space<vmem>> -> memref<64xi32, #tpu.memory_space<vmem>>
    %dma_start3A_74 = arith.constant 0 : i32
    %dma_start3A_75 = arith.constant 0 : i32
    %dma_start3A_76 = tpu.memref_slice %arg3[%dma_start3A_74, %dma_start3A_75] : memref<100000x128xf32, #tpu.memory_space<hbm>> -> memref<100000x128xf32, #tpu.memory_space<hbm>>
    tpu.enqueue_indirect_dma source(%dma_start3A_76 : memref<100000x128xf32, #tpu.memory_space<hbm>>) target(%dma_start3A_70 : memref<64x128xf32, #tpu.memory_space<vmem>>) offsets(%dma_start3A_73 : memref<64xi32, #tpu.memory_space<vmem>>) semaphore(%arg11 : memref<!tpu.dma_semaphore, #tpu.memory_space<semaphore_mem>>)
    %dma_wait3A_77 = arith.constant 1 : i32
    %dma_wait3A_78 = arith.constant 1 : i32
    %dma_wait3A_79 = arith.constant 0 : i32
    %dma_wait3A_80 = tpu.memref_slice %arg6[%dma_wait3A_78, %dma_wait3A_79] : memref<4x64xi32, #tpu.memory_space<vmem>> -> memref<1x64xi32, #tpu.memory_space<vmem>>
    %dma_wait3A_81 = tpu.memref_squeeze %dma_wait3A_80 : memref<1x64xi32, #tpu.memory_space<vmem>> -> memref<64xi32, #tpu.memory_space<vmem>>
    %dma_wait3A_82 = tpu.memref_slice %arg2[%dma_wait3A_77, %mul3A_2] : memref<4x2048xi32, #tpu.memory_space<hbm>> -> memref<1x64xi32, #tpu.memory_space<hbm>>
    %dma_wait3A_83 = tpu.memref_squeeze %dma_wait3A_82 : memref<1x64xi32, #tpu.memory_space<hbm>> -> memref<64xi32, #tpu.memory_space<hbm>>
    %dma_wait3A_84 = arith.constant 0 : i32
    %dma_wait3A_85 = tpu.memref_slice %arg6[%dma_wait3A_78, %dma_wait3A_84] : memref<4x64xi32, #tpu.memory_space<vmem>> -> memref<1x64xi32, #tpu.memory_space<vmem>>
    %dma_wait3A_86 = tpu.memref_squeeze %dma_wait3A_85 : memref<1x64xi32, #tpu.memory_space<vmem>> -> memref<64xi32, #tpu.memory_space<vmem>>
    %dma_wait3A_87 = tpu.memref_slice %arg2[%dma_wait3A_77, %mul3A_2] : memref<4x2048xi32, #tpu.memory_space<hbm>> -> memref<1x64xi32, #tpu.memory_space<hbm>>
    %dma_wait3A_88 = tpu.memref_squeeze %dma_wait3A_87 : memref<1x64xi32, #tpu.memory_space<hbm>> -> memref<64xi32, #tpu.memory_space<hbm>>
    tpu.wait_dma2 semaphore(%arg9 : memref<!tpu.dma_semaphore, #tpu.memory_space<semaphore_mem>>) src(%dma_wait3A_88 : memref<64xi32, #tpu.memory_space<hbm>>) dst(%dma_wait3A_86 : memref<64xi32, #tpu.memory_space<vmem>>)
    %dma_start3A_89 = arith.constant 1 : i32
    %dma_start3A_90 = arith.constant 1 : i32
    %dma_start3A_91 = arith.constant 0 : i32
    %dma_start3A_92 = arith.constant 0 : i32
    %dma_start3A_93 = tpu.memref_slice %arg7[%dma_start3A_90, %dma_start3A_91, %dma_start3A_92] : memref<4x64x128xf32, #tpu.memory_space<vmem>> -> memref<1x64x128xf32, #tpu.memory_space<vmem>>
    %dma_start3A_94 = tpu.memref_squeeze %dma_start3A_93 : memref<1x64x128xf32, #tpu.memory_space<vmem>> -> memref<64x128xf32, #tpu.memory_space<vmem>>
    %dma_start3A_95 = arith.constant 0 : i32
    %dma_start3A_96 = tpu.memref_slice %arg6[%dma_start3A_89, %dma_start3A_95] : memref<4x64xi32, #tpu.memory_space<vmem>> -> memref<1x64xi32, #tpu.memory_space<vmem>>
    %dma_start3A_97 = tpu.memref_squeeze %dma_start3A_96 : memref<1x64xi32, #tpu.memory_space<vmem>> -> memref<64xi32, #tpu.memory_space<vmem>>
    %dma_start3A_98 = arith.constant 0 : i32
    %dma_start3A_99 = arith.constant 0 : i32
    %dma_start3A_100 = tpu.memref_slice %arg3[%dma_start3A_98, %dma_start3A_99] : memref<100000x128xf32, #tpu.memory_space<hbm>> -> memref<100000x128xf32, #tpu.memory_space<hbm>>
    tpu.enqueue_indirect_dma source(%dma_start3A_100 : memref<100000x128xf32, #tpu.memory_space<hbm>>) target(%dma_start3A_94 : memref<64x128xf32, #tpu.memory_space<vmem>>) offsets(%dma_start3A_97 : memref<64xi32, #tpu.memory_space<vmem>>) semaphore(%arg11 : memref<!tpu.dma_semaphore, #tpu.memory_space<semaphore_mem>>)
    %dma_wait3A_101 = arith.constant 2 : i32
    %dma_wait3A_102 = arith.constant 2 : i32
    %dma_wait3A_103 = arith.constant 0 : i32
    %dma_wait3A_104 = tpu.memref_slice %arg6[%dma_wait3A_102, %dma_wait3A_103] : memref<4x64xi32, #tpu.memory_space<vmem>> -> memref<1x64xi32, #tpu.memory_space<vmem>>
    %dma_wait3A_105 = tpu.memref_squeeze %dma_wait3A_104 : memref<1x64xi32, #tpu.memory_space<vmem>> -> memref<64xi32, #tpu.memory_space<vmem>>
    %dma_wait3A_106 = tpu.memref_slice %arg2[%dma_wait3A_101, %mul3A_2] : memref<4x2048xi32, #tpu.memory_space<hbm>> -> memref<1x64xi32, #tpu.memory_space<hbm>>
    %dma_wait3A_107 = tpu.memref_squeeze %dma_wait3A_106 : memref<1x64xi32, #tpu.memory_space<hbm>> -> memref<64xi32, #tpu.memory_space<hbm>>
    %dma_wait3A_108 = arith.constant 0 : i32
    %dma_wait3A_109 = tpu.memref_slice %arg6[%dma_wait3A_102, %dma_wait3A_108] : memref<4x64xi32, #tpu.memory_space<vmem>> -> memref<1x64xi32, #tpu.memory_space<vmem>>
    %dma_wait3A_110 = tpu.memref_squeeze %dma_wait3A_109 : memref<1x64xi32, #tpu.memory_space<vmem>> -> memref<64xi32, #tpu.memory_space<vmem>>
    %dma_wait3A_111 = tpu.memref_slice %arg2[%dma_wait3A_101, %mul3A_2] : memref<4x2048xi32, #tpu.memory_space<hbm>> -> memref<1x64xi32, #tpu.memory_space<hbm>>
    %dma_wait3A_112 = tpu.memref_squeeze %dma_wait3A_111 : memref<1x64xi32, #tpu.memory_space<hbm>> -> memref<64xi32, #tpu.memory_space<hbm>>
    tpu.wait_dma2 semaphore(%arg9 : memref<!tpu.dma_semaphore, #tpu.memory_space<semaphore_mem>>) src(%dma_wait3A_112 : memref<64xi32, #tpu.memory_space<hbm>>) dst(%dma_wait3A_110 : memref<64xi32, #tpu.memory_space<vmem>>)
    %dma_start3A_113 = arith.constant 2 : i32
    %dma_start3A_114 = arith.constant 2 : i32
    %dma_start3A_115 = arith.constant 0 : i32
    %dma_start3A_116 = arith.constant 0 : i32
    %dma_start3A_117 = tpu.memref_slice %arg7[%dma_start3A_114, %dma_start3A_115, %dma_start3A_116] : memref<4x64x128xf32, #tpu.memory_space<vmem>> -> memref<1x64x128xf32, #tpu.memory_space<vmem>>
    %dma_start3A_118 = tpu.memref_squeeze %dma_start3A_117 : memref<1x64x128xf32, #tpu.memory_space<vmem>> -> memref<64x128xf32, #tpu.memory_space<vmem>>
    %dma_start3A_119 = arith.constant 0 : i32
    %dma_start3A_120 = tpu.memref_slice %arg6[%dma_start3A_113, %dma_start3A_119] : memref<4x64xi32, #tpu.memory_space<vmem>> -> memref<1x64xi32, #tpu.memory_space<vmem>>
    %dma_start3A_121 = tpu.memref_squeeze %dma_start3A_120 : memref<1x64xi32, #tpu.memory_space<vmem>> -> memref<64xi32, #tpu.memory_space<vmem>>
    %dma_start3A_122 = arith.constant 0 : i32
    %dma_start3A_123 = arith.constant 0 : i32
    %dma_start3A_124 = tpu.memref_slice %arg3[%dma_start3A_122, %dma_start3A_123] : memref<100000x128xf32, #tpu.memory_space<hbm>> -> memref<100000x128xf32, #tpu.memory_space<hbm>>
    tpu.enqueue_indirect_dma source(%dma_start3A_124 : memref<100000x128xf32, #tpu.memory_space<hbm>>) target(%dma_start3A_118 : memref<64x128xf32, #tpu.memory_space<vmem>>) offsets(%dma_start3A_121 : memref<64xi32, #tpu.memory_space<vmem>>) semaphore(%arg11 : memref<!tpu.dma_semaphore, #tpu.memory_space<semaphore_mem>>)
    %dma_wait3A_125 = arith.constant 3 : i32
    %dma_wait3A_126 = arith.constant 3 : i32
    %dma_wait3A_127 = arith.constant 0 : i32
    %dma_wait3A_128 = tpu.memref_slice %arg6[%dma_wait3A_126, %dma_wait3A_127] : memref<4x64xi32, #tpu.memory_space<vmem>> -> memref<1x64xi32, #tpu.memory_space<vmem>>
    %dma_wait3A_129 = tpu.memref_squeeze %dma_wait3A_128 : memref<1x64xi32, #tpu.memory_space<vmem>> -> memref<64xi32, #tpu.memory_space<vmem>>
    %dma_wait3A_130 = tpu.memref_slice %arg2[%dma_wait3A_125, %mul3A_2] : memref<4x2048xi32, #tpu.memory_space<hbm>> -> memref<1x64xi32, #tpu.memory_space<hbm>>
    %dma_wait3A_131 = tpu.memref_squeeze %dma_wait3A_130 : memref<1x64xi32, #tpu.memory_space<hbm>> -> memref<64xi32, #tpu.memory_space<hbm>>
    %dma_wait3A_132 = arith.constant 0 : i32
    %dma_wait3A_133 = tpu.memref_slice %arg6[%dma_wait3A_126, %dma_wait3A_132] : memref<4x64xi32, #tpu.memory_space<vmem>> -> memref<1x64xi32, #tpu.memory_space<vmem>>
    %dma_wait3A_134 = tpu.memref_squeeze %dma_wait3A_133 : memref<1x64xi32, #tpu.memory_space<vmem>> -> memref<64xi32, #tpu.memory_space<vmem>>
    %dma_wait3A_135 = tpu.memref_slice %arg2[%dma_wait3A_125, %mul3A_2] : memref<4x2048xi32, #tpu.memory_space<hbm>> -> memref<1x64xi32, #tpu.memory_space<hbm>>
    %dma_wait3A_136 = tpu.memref_squeeze %dma_wait3A_135 : memref<1x64xi32, #tpu.memory_space<hbm>> -> memref<64xi32, #tpu.memory_space<hbm>>
    tpu.wait_dma2 semaphore(%arg9 : memref<!tpu.dma_semaphore, #tpu.memory_space<semaphore_mem>>) src(%dma_wait3A_136 : memref<64xi32, #tpu.memory_space<hbm>>) dst(%dma_wait3A_134 : memref<64xi32, #tpu.memory_space<vmem>>)
    %dma_start3A_137 = arith.constant 3 : i32
    %dma_start3A_138 = arith.constant 3 : i32
    %dma_start3A_139 = arith.constant 0 : i32
    %dma_start3A_140 = arith.constant 0 : i32
    %dma_start3A_141 = tpu.memref_slice %arg7[%dma_start3A_138, %dma_start3A_139, %dma_start3A_140] : memref<4x64x128xf32, #tpu.memory_space<vmem>> -> memref<1x64x128xf32, #tpu.memory_space<vmem>>
    %dma_start3A_142 = tpu.memref_squeeze %dma_start3A_141 : memref<1x64x128xf32, #tpu.memory_space<vmem>> -> memref<64x128xf32, #tpu.memory_space<vmem>>
    %dma_start3A_143 = arith.constant 0 : i32
    %dma_start3A_144 = tpu.memref_slice %arg6[%dma_start3A_137, %dma_start3A_143] : memref<4x64xi32, #tpu.memory_space<vmem>> -> memref<1x64xi32, #tpu.memory_space<vmem>>
    %dma_start3A_145 = tpu.memref_squeeze %dma_start3A_144 : memref<1x64xi32, #tpu.memory_space<vmem>> -> memref<64xi32, #tpu.memory_space<vmem>>
    %dma_start3A_146 = arith.constant 0 : i32
    %dma_start3A_147 = arith.constant 0 : i32
    %dma_start3A_148 = tpu.memref_slice %arg3[%dma_start3A_146, %dma_start3A_147] : memref<100000x128xf32, #tpu.memory_space<hbm>> -> memref<100000x128xf32, #tpu.memory_space<hbm>>
    tpu.enqueue_indirect_dma source(%dma_start3A_148 : memref<100000x128xf32, #tpu.memory_space<hbm>>) target(%dma_start3A_142 : memref<64x128xf32, #tpu.memory_space<vmem>>) offsets(%dma_start3A_145 : memref<64xi32, #tpu.memory_space<vmem>>) semaphore(%arg11 : memref<!tpu.dma_semaphore, #tpu.memory_space<semaphore_mem>>)
    %dma_wait3A_149 = arith.constant 0 : i32
    %dma_wait3A_150 = tpu.memref_slice %arg4[%mul3A_2, %dma_wait3A_149] : memref<2048x128xf32, #tpu.memory_space<hbm>> -> memref<64x128xf32, #tpu.memory_space<hbm>>
    %dma_wait3A_151 = arith.constant 0 : i32
    %dma_wait3A_152 = tpu.memref_slice %arg4[%mul3A_2, %dma_wait3A_151] : memref<2048x128xf32, #tpu.memory_space<hbm>> -> memref<64x128xf32, #tpu.memory_space<hbm>>
    tpu.wait_dma2 semaphore(%arg10 : memref<!tpu.dma_semaphore, #tpu.memory_space<semaphore_mem>>) src(%dma_wait3A_152 : memref<64x128xf32, #tpu.memory_space<hbm>>) dst(%arg8 : memref<64x128xf32, #tpu.memory_space<vmem>>)
    %dma_wait3A_153 = arith.constant 0 : i32
    %dma_wait3A_154 = arith.constant 0 : i32
    %dma_wait3A_155 = arith.constant 0 : i32
    %dma_wait3A_156 = arith.constant 0 : i32
    %dma_wait3A_157 = tpu.memref_slice %arg7[%dma_wait3A_154, %dma_wait3A_155, %dma_wait3A_156] : memref<4x64x128xf32, #tpu.memory_space<vmem>> -> memref<1x64x128xf32, #tpu.memory_space<vmem>>
    %dma_wait3A_158 = tpu.memref_squeeze %dma_wait3A_157 : memref<1x64x128xf32, #tpu.memory_space<vmem>> -> memref<64x128xf32, #tpu.memory_space<vmem>>
    %dma_wait3A_159 = arith.constant 0 : i32
    %dma_wait3A_160 = tpu.memref_slice %arg6[%dma_wait3A_153, %dma_wait3A_159] : memref<4x64xi32, #tpu.memory_space<vmem>> -> memref<1x64xi32, #tpu.memory_space<vmem>>
    %dma_wait3A_161 = tpu.memref_squeeze %dma_wait3A_160 : memref<1x64xi32, #tpu.memory_space<vmem>> -> memref<64xi32, #tpu.memory_space<vmem>>
    %dma_wait3A_162 = arith.constant 0 : i32
    %dma_wait3A_163 = arith.constant 0 : i32
    %dma_wait3A_164 = tpu.memref_slice %arg3[%dma_wait3A_162, %dma_wait3A_163] : memref<100000x128xf32, #tpu.memory_space<hbm>> -> memref<100000x128xf32, #tpu.memory_space<hbm>>
    tpu.wait_indirect_dma semaphore(%arg11 : memref<!tpu.dma_semaphore, #tpu.memory_space<semaphore_mem>>) src(%dma_wait3A_164 : memref<100000x128xf32, #tpu.memory_space<hbm>>) dst(%dma_wait3A_158 : memref<64x128xf32, #tpu.memory_space<vmem>>)
    %scan3A = arith.constant 0 : i32
    %scan3A_165 = arith.constant 0 : i32
    %scan3A_166 = arith.constant 64 : i32
    %scan3A_167 = arith.addi %scan3A_165, %scan3A_166 : i32
    %scan3A_168 = arith.constant 1 : i32
    scf.for %scan3A_394 = %scan3A_165 to %scan3A_167 step %scan3A_168  : i32 {
      %add3A_395 = arith.constant 0 : i32
      %add3A_396 = arith.addi %add3A_395, %scan3A_394 : i32
      %add3A_397 = arith.constant 0 : i32
      %add3A_398 = arith.addi %add3A_397, %scan3A_394 : i32
      %get3A = arith.index_cast %add3A_398 : i32 to index
      %get3A_399 = arith.constant 0 : index
      %get3A_400 = tpu.vector_load %arg8[%get3A, %get3A_399] {strides = array<i32>} : memref<64x128xf32, #tpu.memory_space<vmem>>, vector<1x16xf32>,
      %get3A_401 = vector.shape_cast %get3A_400 : vector<1x16xf32> to vector<16xf32>
      %swap3A = arith.constant 0 : i32
      %swap3A_402 = arith.index_cast %swap3A : i32 to index
      %swap3A_403 = arith.index_cast %add3A_396 : i32 to index
      %swap3A_404 = arith.constant 0 : index
      %swap3A_405 = tpu.vector_load %arg7[%swap3A_402, %swap3A_403, %swap3A_404] {strides = array<i32>} : memref<4x64x128xf32, #tpu.memory_space<vmem>>, vector<1x1x16xf32>,
      %swap3A_406 = vector.shape_cast %swap3A_405 : vector<1x1x16xf32> to vector<16xf32>
      %swap3A_407 = vector.shape_cast %get3A_401 : vector<16xf32> to vector<1x1x16xf32>
      tpu.vector_store %arg7[%swap3A_402, %swap3A_403, %swap3A_404], %swap3A_407 {add = true, strides = array<i32>} : memref<4x64x128xf32, #tpu.memory_space<vmem>>, vector<1x1x16xf32>,
      %add3A_408 = arith.constant 0 : i32
      %add3A_409 = arith.addi %add3A_408, %scan3A_394 : i32
      %add3A_410 = arith.constant 0 : i32
      %add3A_411 = arith.addi %add3A_410, %scan3A_394 : i32
      %get3A_412 = arith.index_cast %add3A_411 : i32 to index
      %get3A_413 = arith.constant 16 : index
      %get3A_414 = tpu.vector_load %arg8[%get3A_412, %get3A_413] {strides = array<i32>} : memref<64x128xf32, #tpu.memory_space<vmem>>, vector<1x16xf32>,
      %get3A_415 = vector.shape_cast %get3A_414 : vector<1x16xf32> to vector<16xf32>
      %swap3A_416 = arith.constant 0 : i32
      %swap3A_417 = arith.index_cast %swap3A_416 : i32 to index
      %swap3A_418 = arith.index_cast %add3A_409 : i32 to index
      %swap3A_419 = arith.constant 16 : index
      %swap3A_420 = tpu.vector_load %arg7[%swap3A_417, %swap3A_418, %swap3A_419] {strides = array<i32>} : memref<4x64x128xf32, #tpu.memory_space<vmem>>, vector<1x1x16xf32>,
      %swap3A_421 = vector.shape_cast %swap3A_420 : vector<1x1x16xf32> to vector<16xf32>
      %swap3A_422 = vector.shape_cast %get3A_415 : vector<16xf32> to vector<1x1x16xf32>
      tpu.vector_store %arg7[%swap3A_417, %swap3A_418, %swap3A_419], %swap3A_422 {add = true, strides = array<i32>} : memref<4x64x128xf32, #tpu.memory_space<vmem>>, vector<1x1x16xf32>,
      %add3A_423 = arith.constant 0 : i32
      %add3A_424 = arith.addi %add3A_423, %scan3A_394 : i32
      %add3A_425 = arith.constant 0 : i32
      %add3A_426 = arith.addi %add3A_425, %scan3A_394 : i32
      %get3A_427 = arith.index_cast %add3A_426 : i32 to index
      %get3A_428 = arith.constant 32 : index
      %get3A_429 = tpu.vector_load %arg8[%get3A_427, %get3A_428] {strides = array<i32>} : memref<64x128xf32, #tpu.memory_space<vmem>>, vector<1x16xf32>,
      %get3A_430 = vector.shape_cast %get3A_429 : vector<1x16xf32> to vector<16xf32>
      %swap3A_431 = arith.constant 0 : i32
      %swap3A_432 = arith.index_cast %swap3A_431 : i32 to index
      %swap3A_433 = arith.index_cast %add3A_424 : i32 to index
      %swap3A_434 = arith.constant 32 : index
      %swap3A_435 = tpu.vector_load %arg7[%swap3A_432, %swap3A_433, %swap3A_434] {strides = array<i32>} : memref<4x64x128xf32, #tpu.memory_space<vmem>>, vector<1x1x16xf32>,
      %swap3A_436 = vector.shape_cast %swap3A_435 : vector<1x1x16xf32> to vector<16xf32>
      %swap3A_437 = vector.shape_cast %get3A_430 : vector<16xf32> to vector<1x1x16xf32>
      tpu.vector_store %arg7[%swap3A_432, %swap3A_433, %swap3A_434], %swap3A_437 {add = true, strides = array<i32>} : memref<4x64x128xf32, #tpu.memory_space<vmem>>, vector<1x1x16xf32>,
      %add3A_438 = arith.constant 0 : i32
      %add3A_439 = arith.addi %add3A_438, %scan3A_394 : i32
      %add3A_440 = arith.constant 0 : i32
      %add3A_441 = arith.addi %add3A_440, %scan3A_394 : i32
      %get3A_442 = arith.index_cast %add3A_441 : i32 to index
      %get3A_443 = arith.constant 48 : index
      %get3A_444 = tpu.vector_load %arg8[%get3A_442, %get3A_443] {strides = array<i32>} : memref<64x128xf32, #tpu.memory_space<vmem>>, vector<1x16xf32>,
      %get3A_445 = vector.shape_cast %get3A_444 : vector<1x16xf32> to vector<16xf32>
      %swap3A_446 = arith.constant 0 : i32
      %swap3A_447 = arith.index_cast %swap3A_446 : i32 to index
      %swap3A_448 = arith.index_cast %add3A_439 : i32 to index
      %swap3A_449 = arith.constant 48 : index
      %swap3A_450 = tpu.vector_load %arg7[%swap3A_447, %swap3A_448, %swap3A_449] {strides = array<i32>} : memref<4x64x128xf32, #tpu.memory_space<vmem>>, vector<1x1x16xf32>,
      %swap3A_451 = vector.shape_cast %swap3A_450 : vector<1x1x16xf32> to vector<16xf32>
      %swap3A_452 = vector.shape_cast %get3A_445 : vector<16xf32> to vector<1x1x16xf32>
      tpu.vector_store %arg7[%swap3A_447, %swap3A_448, %swap3A_449], %swap3A_452 {add = true, strides = array<i32>} : memref<4x64x128xf32, #tpu.memory_space<vmem>>, vector<1x1x16xf32>,
      %add3A_453 = arith.constant 0 : i32
      %add3A_454 = arith.addi %add3A_453, %scan3A_394 : i32
      %add3A_455 = arith.constant 0 : i32
      %add3A_456 = arith.addi %add3A_455, %scan3A_394 : i32
      %get3A_457 = arith.index_cast %add3A_456 : i32 to index
      %get3A_458 = arith.constant 64 : index
      %get3A_459 = tpu.vector_load %arg8[%get3A_457, %get3A_458] {strides = array<i32>} : memref<64x128xf32, #tpu.memory_space<vmem>>, vector<1x16xf32>,
      %get3A_460 = vector.shape_cast %get3A_459 : vector<1x16xf32> to vector<16xf32>
      %swap3A_461 = arith.constant 0 : i32
      %swap3A_462 = arith.index_cast %swap3A_461 : i32 to index
      %swap3A_463 = arith.index_cast %add3A_454 : i32 to index
      %swap3A_464 = arith.constant 64 : index
      %swap3A_465 = tpu.vector_load %arg7[%swap3A_462, %swap3A_463, %swap3A_464] {strides = array<i32>} : memref<4x64x128xf32, #tpu.memory_space<vmem>>, vector<1x1x16xf32>,
      %swap3A_466 = vector.shape_cast %swap3A_465 : vector<1x1x16xf32> to vector<16xf32>
      %swap3A_467 = vector.shape_cast %get3A_460 : vector<16xf32> to vector<1x1x16xf32>
      tpu.vector_store %arg7[%swap3A_462, %swap3A_463, %swap3A_464], %swap3A_467 {add = true, strides = array<i32>} : memref<4x64x128xf32, #tpu.memory_space<vmem>>, vector<1x1x16xf32>,
      %add3A_468 = arith.constant 0 : i32
      %add3A_469 = arith.addi %add3A_468, %scan3A_394 : i32
      %add3A_470 = arith.constant 0 : i32
      %add3A_471 = arith.addi %add3A_470, %scan3A_394 : i32
      %get3A_472 = arith.index_cast %add3A_471 : i32 to index
      %get3A_473 = arith.constant 80 : index
      %get3A_474 = tpu.vector_load %arg8[%get3A_472, %get3A_473] {strides = array<i32>} : memref<64x128xf32, #tpu.memory_space<vmem>>, vector<1x16xf32>,
      %get3A_475 = vector.shape_cast %get3A_474 : vector<1x16xf32> to vector<16xf32>
      %swap3A_476 = arith.constant 0 : i32
      %swap3A_477 = arith.index_cast %swap3A_476 : i32 to index
      %swap3A_478 = arith.index_cast %add3A_469 : i32 to index
      %swap3A_479 = arith.constant 80 : index
      %swap3A_480 = tpu.vector_load %arg7[%swap3A_477, %swap3A_478, %swap3A_479] {strides = array<i32>} : memref<4x64x128xf32, #tpu.memory_space<vmem>>, vector<1x1x16xf32>,
      %swap3A_481 = vector.shape_cast %swap3A_480 : vector<1x1x16xf32> to vector<16xf32>
      %swap3A_482 = vector.shape_cast %get3A_475 : vector<16xf32> to vector<1x1x16xf32>
      tpu.vector_store %arg7[%swap3A_477, %swap3A_478, %swap3A_479], %swap3A_482 {add = true, strides = array<i32>} : memref<4x64x128xf32, #tpu.memory_space<vmem>>, vector<1x1x16xf32>,
      %add3A_483 = arith.constant 0 : i32
      %add3A_484 = arith.addi %add3A_483, %scan3A_394 : i32
      %add3A_485 = arith.constant 0 : i32
      %add3A_486 = arith.addi %add3A_485, %scan3A_394 : i32
      %get3A_487 = arith.index_cast %add3A_486 : i32 to index
      %get3A_488 = arith.constant 96 : index
      %get3A_489 = tpu.vector_load %arg8[%get3A_487, %get3A_488] {strides = array<i32>} : memref<64x128xf32, #tpu.memory_space<vmem>>, vector<1x16xf32>,
      %get3A_490 = vector.shape_cast %get3A_489 : vector<1x16xf32> to vector<16xf32>
      %swap3A_491 = arith.constant 0 : i32
      %swap3A_492 = arith.index_cast %swap3A_491 : i32 to index
      %swap3A_493 = arith.index_cast %add3A_484 : i32 to index
      %swap3A_494 = arith.constant 96 : index
      %swap3A_495 = tpu.vector_load %arg7[%swap3A_492, %swap3A_493, %swap3A_494] {strides = array<i32>} : memref<4x64x128xf32, #tpu.memory_space<vmem>>, vector<1x1x16xf32>,
      %swap3A_496 = vector.shape_cast %swap3A_495 : vector<1x1x16xf32> to vector<16xf32>
      %swap3A_497 = vector.shape_cast %get3A_490 : vector<16xf32> to vector<1x1x16xf32>
      tpu.vector_store %arg7[%swap3A_492, %swap3A_493, %swap3A_494], %swap3A_497 {add = true, strides = array<i32>} : memref<4x64x128xf32, #tpu.memory_space<vmem>>, vector<1x1x16xf32>,
      %add3A_498 = arith.constant 0 : i32
      %add3A_499 = arith.addi %add3A_498, %scan3A_394 : i32
      %add3A_500 = arith.constant 0 : i32
      %add3A_501 = arith.addi %add3A_500, %scan3A_394 : i32
      %get3A_502 = arith.index_cast %add3A_501 : i32 to index
      %get3A_503 = arith.constant 112 : index
      %get3A_504 = tpu.vector_load %arg8[%get3A_502, %get3A_503] {strides = array<i32>} : memref<64x128xf32, #tpu.memory_space<vmem>>, vector<1x16xf32>,
      %get3A_505 = vector.shape_cast %get3A_504 : vector<1x16xf32> to vector<16xf32>
      %swap3A_506 = arith.constant 0 : i32
      %swap3A_507 = arith.index_cast %swap3A_506 : i32 to index
      %swap3A_508 = arith.index_cast %add3A_499 : i32 to index
      %swap3A_509 = arith.constant 112 : index
      %swap3A_510 = tpu.vector_load %arg7[%swap3A_507, %swap3A_508, %swap3A_509] {strides = array<i32>} : memref<4x64x128xf32, #tpu.memory_space<vmem>>, vector<1x1x16xf32>,
      %swap3A_511 = vector.shape_cast %swap3A_510 : vector<1x1x16xf32> to vector<16xf32>
      %swap3A_512 = vector.shape_cast %get3A_505 : vector<16xf32> to vector<1x1x16xf32>
      tpu.vector_store %arg7[%swap3A_507, %swap3A_508, %swap3A_509], %swap3A_512 {add = true, strides = array<i32>} : memref<4x64x128xf32, #tpu.memory_space<vmem>>, vector<1x1x16xf32>,
    }
    %scan3A_169 = arith.constant 64 : i32
    %dma_start3A_170 = arith.constant 0 : i32
    %dma_start3A_171 = arith.constant 0 : i32
    %dma_start3A_172 = arith.constant 0 : i32
    %dma_start3A_173 = arith.constant 0 : i32
    %dma_start3A_174 = tpu.memref_slice %arg7[%dma_start3A_170, %dma_start3A_172, %dma_start3A_173] : memref<4x64x128xf32, #tpu.memory_space<vmem>> -> memref<1x64x128xf32, #tpu.memory_space<vmem>>
    %dma_start3A_175 = tpu.memref_squeeze %dma_start3A_174 : memref<1x64x128xf32, #tpu.memory_space<vmem>> -> memref<64x128xf32, #tpu.memory_space<vmem>>
    %dma_start3A_176 = arith.constant 0 : i32
    %dma_start3A_177 = tpu.memref_slice %arg5[%dma_start3A_171, %mul3A_2, %dma_start3A_176] : memref<4x2048x128xf32, #tpu.memory_space<hbm>> -> memref<1x64x128xf32, #tpu.memory_space<hbm>>
    %dma_start3A_178 = tpu.memref_squeeze %dma_start3A_177 : memref<1x64x128xf32, #tpu.memory_space<hbm>> -> memref<64x128xf32, #tpu.memory_space<hbm>>
    %dma_start3A_179 = arith.constant 0 : i32
    %dma_start3A_180 = tpu.memref_slice %arg5[%dma_start3A_171, %mul3A_2, %dma_start3A_179] : memref<4x2048x128xf32, #tpu.memory_space<hbm>> -> memref<1x64x128xf32, #tpu.memory_space<hbm>>
    %dma_start3A_181 = tpu.memref_squeeze %dma_start3A_180 : memref<1x64x128xf32, #tpu.memory_space<hbm>> -> memref<64x128xf32, #tpu.memory_space<hbm>>
    %dma_start3A_182 = arith.constant 0 : i32
    %dma_start3A_183 = arith.constant 0 : i32
    %dma_start3A_184 = tpu.memref_slice %arg7[%dma_start3A_170, %dma_start3A_182, %dma_start3A_183] : memref<4x64x128xf32, #tpu.memory_space<vmem>> -> memref<1x64x128xf32, #tpu.memory_space<vmem>>
    %dma_start3A_185 = tpu.memref_squeeze %dma_start3A_184 : memref<1x64x128xf32, #tpu.memory_space<vmem>> -> memref<64x128xf32, #tpu.memory_space<vmem>>
    tpu.enqueue_dma source(%dma_start3A_185 : memref<64x128xf32, #tpu.memory_space<vmem>>) target(%dma_start3A_181 : memref<64x128xf32, #tpu.memory_space<hbm>>) target_semaphore(%arg12 : memref<!tpu.dma_semaphore, #tpu.memory_space<semaphore_mem>>)
    %dma_wait3A_186 = arith.constant 1 : i32
    %dma_wait3A_187 = arith.constant 1 : i32
    %dma_wait3A_188 = arith.constant 0 : i32
    %dma_wait3A_189 = arith.constant 0 : i32
    %dma_wait3A_190 = tpu.memref_slice %arg7[%dma_wait3A_187, %dma_wait3A_188, %dma_wait3A_189] : memref<4x64x128xf32, #tpu.memory_space<vmem>> -> memref<1x64x128xf32, #tpu.memory_space<vmem>>
    %dma_wait3A_191 = tpu.memref_squeeze %dma_wait3A_190 : memref<1x64x128xf32, #tpu.memory_space<vmem>> -> memref<64x128xf32, #tpu.memory_space<vmem>>
    %dma_wait3A_192 = arith.constant 0 : i32
    %dma_wait3A_193 = tpu.memref_slice %arg6[%dma_wait3A_186, %dma_wait3A_192] : memref<4x64xi32, #tpu.memory_space<vmem>> -> memref<1x64xi32, #tpu.memory_space<vmem>>
    %dma_wait3A_194 = tpu.memref_squeeze %dma_wait3A_193 : memref<1x64xi32, #tpu.memory_space<vmem>> -> memref<64xi32, #tpu.memory_space<vmem>>
    %dma_wait3A_195 = arith.constant 0 : i32
    %dma_wait3A_196 = arith.constant 0 : i32
    %dma_wait3A_197 = tpu.memref_slice %arg3[%dma_wait3A_195, %dma_wait3A_196] : memref<100000x128xf32, #tpu.memory_space<hbm>> -> memref<100000x128xf32, #tpu.memory_space<hbm>>
    tpu.wait_indirect_dma semaphore(%arg11 : memref<!tpu.dma_semaphore, #tpu.memory_space<semaphore_mem>>) src(%dma_wait3A_197 : memref<100000x128xf32, #tpu.memory_space<hbm>>) dst(%dma_wait3A_191 : memref<64x128xf32, #tpu.memory_space<vmem>>)
    %scan3A_198 = arith.constant 0 : i32
    %scan3A_199 = arith.constant 0 : i32
    %scan3A_200 = arith.constant 64 : i32
    %scan3A_201 = arith.addi %scan3A_199, %scan3A_200 : i32
    %scan3A_202 = arith.constant 1 : i32
    scf.for %scan3A_394 = %scan3A_199 to %scan3A_201 step %scan3A_202  : i32 {
      %add3A_395 = arith.constant 0 : i32
      %add3A_396 = arith.addi %add3A_395, %scan3A_394 : i32
      %add3A_397 = arith.constant 0 : i32
      %add3A_398 = arith.addi %add3A_397, %scan3A_394 : i32
      %get3A = arith.index_cast %add3A_398 : i32 to index
      %get3A_399 = arith.constant 0 : index
      %get3A_400 = tpu.vector_load %arg8[%get3A, %get3A_399] {strides = array<i32>} : memref<64x128xf32, #tpu.memory_space<vmem>>, vector<1x16xf32>,
      %get3A_401 = vector.shape_cast %get3A_400 : vector<1x16xf32> to vector<16xf32>
      %swap3A = arith.constant 1 : i32
      %swap3A_402 = arith.index_cast %swap3A : i32 to index
      %swap3A_403 = arith.index_cast %add3A_396 : i32 to index
      %swap3A_404 = arith.constant 0 : index
      %swap3A_405 = tpu.vector_load %arg7[%swap3A_402, %swap3A_403, %swap3A_404] {strides = array<i32>} : memref<4x64x128xf32, #tpu.memory_space<vmem>>, vector<1x1x16xf32>,
      %swap3A_406 = vector.shape_cast %swap3A_405 : vector<1x1x16xf32> to vector<16xf32>
      %swap3A_407 = vector.shape_cast %get3A_401 : vector<16xf32> to vector<1x1x16xf32>
      tpu.vector_store %arg7[%swap3A_402, %swap3A_403, %swap3A_404], %swap3A_407 {add = true, strides = array<i32>} : memref<4x64x128xf32, #tpu.memory_space<vmem>>, vector<1x1x16xf32>,
      %add3A_408 = arith.constant 0 : i32
      %add3A_409 = arith.addi %add3A_408, %scan3A_394 : i32
      %add3A_410 = arith.constant 0 : i32
      %add3A_411 = arith.addi %add3A_410, %scan3A_394 : i32
      %get3A_412 = arith.index_cast %add3A_411 : i32 to index
      %get3A_413 = arith.constant 16 : index
      %get3A_414 = tpu.vector_load %arg8[%get3A_412, %get3A_413] {strides = array<i32>} : memref<64x128xf32, #tpu.memory_space<vmem>>, vector<1x16xf32>,
      %get3A_415 = vector.shape_cast %get3A_414 : vector<1x16xf32> to vector<16xf32>
      %swap3A_416 = arith.constant 1 : i32
      %swap3A_417 = arith.index_cast %swap3A_416 : i32 to index
      %swap3A_418 = arith.index_cast %add3A_409 : i32 to index
      %swap3A_419 = arith.constant 16 : index
      %swap3A_420 = tpu.vector_load %arg7[%swap3A_417, %swap3A_418, %swap3A_419] {strides = array<i32>} : memref<4x64x128xf32, #tpu.memory_space<vmem>>, vector<1x1x16xf32>,
      %swap3A_421 = vector.shape_cast %swap3A_420 : vector<1x1x16xf32> to vector<16xf32>
      %swap3A_422 = vector.shape_cast %get3A_415 : vector<16xf32> to vector<1x1x16xf32>
      tpu.vector_store %arg7[%swap3A_417, %swap3A_418, %swap3A_419], %swap3A_422 {add = true, strides = array<i32>} : memref<4x64x128xf32, #tpu.memory_space<vmem>>, vector<1x1x16xf32>,
      %add3A_423 = arith.constant 0 : i32
      %add3A_424 = arith.addi %add3A_423, %scan3A_394 : i32
      %add3A_425 = arith.constant 0 : i32
      %add3A_426 = arith.addi %add3A_425, %scan3A_394 : i32
      %get3A_427 = arith.index_cast %add3A_426 : i32 to index
      %get3A_428 = arith.constant 32 : index
      %get3A_429 = tpu.vector_load %arg8[%get3A_427, %get3A_428] {strides = array<i32>} : memref<64x128xf32, #tpu.memory_space<vmem>>, vector<1x16xf32>,
      %get3A_430 = vector.shape_cast %get3A_429 : vector<1x16xf32> to vector<16xf32>
      %swap3A_431 = arith.constant 1 : i32
      %swap3A_432 = arith.index_cast %swap3A_431 : i32 to index
      %swap3A_433 = arith.index_cast %add3A_424 : i32 to index
      %swap3A_434 = arith.constant 32 : index
      %swap3A_435 = tpu.vector_load %arg7[%swap3A_432, %swap3A_433, %swap3A_434] {strides = array<i32>} : memref<4x64x128xf32, #tpu.memory_space<vmem>>, vector<1x1x16xf32>,
      %swap3A_436 = vector.shape_cast %swap3A_435 : vector<1x1x16xf32> to vector<16xf32>
      %swap3A_437 = vector.shape_cast %get3A_430 : vector<16xf32> to vector<1x1x16xf32>
      tpu.vector_store %arg7[%swap3A_432, %swap3A_433, %swap3A_434], %swap3A_437 {add = true, strides = array<i32>} : memref<4x64x128xf32, #tpu.memory_space<vmem>>, vector<1x1x16xf32>,
      %add3A_438 = arith.constant 0 : i32
      %add3A_439 = arith.addi %add3A_438, %scan3A_394 : i32
      %add3A_440 = arith.constant 0 : i32
      %add3A_441 = arith.addi %add3A_440, %scan3A_394 : i32
      %get3A_442 = arith.index_cast %add3A_441 : i32 to index
      %get3A_443 = arith.constant 48 : index
      %get3A_444 = tpu.vector_load %arg8[%get3A_442, %get3A_443] {strides = array<i32>} : memref<64x128xf32, #tpu.memory_space<vmem>>, vector<1x16xf32>,
      %get3A_445 = vector.shape_cast %get3A_444 : vector<1x16xf32> to vector<16xf32>
      %swap3A_446 = arith.constant 1 : i32
      %swap3A_447 = arith.index_cast %swap3A_446 : i32 to index
      %swap3A_448 = arith.index_cast %add3A_439 : i32 to index
      %swap3A_449 = arith.constant 48 : index
      %swap3A_450 = tpu.vector_load %arg7[%swap3A_447, %swap3A_448, %swap3A_449] {strides = array<i32>} : memref<4x64x128xf32, #tpu.memory_space<vmem>>, vector<1x1x16xf32>,
      %swap3A_451 = vector.shape_cast %swap3A_450 : vector<1x1x16xf32> to vector<16xf32>
      %swap3A_452 = vector.shape_cast %get3A_445 : vector<16xf32> to vector<1x1x16xf32>
      tpu.vector_store %arg7[%swap3A_447, %swap3A_448, %swap3A_449], %swap3A_452 {add = true, strides = array<i32>} : memref<4x64x128xf32, #tpu.memory_space<vmem>>, vector<1x1x16xf32>,
      %add3A_453 = arith.constant 0 : i32
      %add3A_454 = arith.addi %add3A_453, %scan3A_394 : i32
      %add3A_455 = arith.constant 0 : i32
      %add3A_456 = arith.addi %add3A_455, %scan3A_394 : i32
      %get3A_457 = arith.index_cast %add3A_456 : i32 to index
      %get3A_458 = arith.constant 64 : index
      %get3A_459 = tpu.vector_load %arg8[%get3A_457, %get3A_458] {strides = array<i32>} : memref<64x128xf32, #tpu.memory_space<vmem>>, vector<1x16xf32>,
      %get3A_460 = vector.shape_cast %get3A_459 : vector<1x16xf32> to vector<16xf32>
      %swap3A_461 = arith.constant 1 : i32
      %swap3A_462 = arith.index_cast %swap3A_461 : i32 to index
      %swap3A_463 = arith.index_cast %add3A_454 : i32 to index
      %swap3A_464 = arith.constant 64 : index
      %swap3A_465 = tpu.vector_load %arg7[%swap3A_462, %swap3A_463, %swap3A_464] {strides = array<i32>} : memref<4x64x128xf32, #tpu.memory_space<vmem>>, vector<1x1x16xf32>,
      %swap3A_466 = vector.shape_cast %swap3A_465 : vector<1x1x16xf32> to vector<16xf32>
      %swap3A_467 = vector.shape_cast %get3A_460 : vector<16xf32> to vector<1x1x16xf32>
      tpu.vector_store %arg7[%swap3A_462, %swap3A_463, %swap3A_464], %swap3A_467 {add = true, strides = array<i32>} : memref<4x64x128xf32, #tpu.memory_space<vmem>>, vector<1x1x16xf32>,
      %add3A_468 = arith.constant 0 : i32
      %add3A_469 = arith.addi %add3A_468, %scan3A_394 : i32
      %add3A_470 = arith.constant 0 : i32
      %add3A_471 = arith.addi %add3A_470, %scan3A_394 : i32
      %get3A_472 = arith.index_cast %add3A_471 : i32 to index
      %get3A_473 = arith.constant 80 : index
      %get3A_474 = tpu.vector_load %arg8[%get3A_472, %get3A_473] {strides = array<i32>} : memref<64x128xf32, #tpu.memory_space<vmem>>, vector<1x16xf32>,
      %get3A_475 = vector.shape_cast %get3A_474 : vector<1x16xf32> to vector<16xf32>
      %swap3A_476 = arith.constant 1 : i32
      %swap3A_477 = arith.index_cast %swap3A_476 : i32 to index
      %swap3A_478 = arith.index_cast %add3A_469 : i32 to index
      %swap3A_479 = arith.constant 80 : index
      %swap3A_480 = tpu.vector_load %arg7[%swap3A_477, %swap3A_478, %swap3A_479] {strides = array<i32>} : memref<4x64x128xf32, #tpu.memory_space<vmem>>, vector<1x1x16xf32>,
      %swap3A_481 = vector.shape_cast %swap3A_480 : vector<1x1x16xf32> to vector<16xf32>
      %swap3A_482 = vector.shape_cast %get3A_475 : vector<16xf32> to vector<1x1x16xf32>
      tpu.vector_store %arg7[%swap3A_477, %swap3A_478, %swap3A_479], %swap3A_482 {add = true, strides = array<i32>} : memref<4x64x128xf32, #tpu.memory_space<vmem>>, vector<1x1x16xf32>,
      %add3A_483 = arith.constant 0 : i32
      %add3A_484 = arith.addi %add3A_483, %scan3A_394 : i32
      %add3A_485 = arith.constant 0 : i32
      %add3A_486 = arith.addi %add3A_485, %scan3A_394 : i32
      %get3A_487 = arith.index_cast %add3A_486 : i32 to index
      %get3A_488 = arith.constant 96 : index
      %get3A_489 = tpu.vector_load %arg8[%get3A_487, %get3A_488] {strides = array<i32>} : memref<64x128xf32, #tpu.memory_space<vmem>>, vector<1x16xf32>,
      %get3A_490 = vector.shape_cast %get3A_489 : vector<1x16xf32> to vector<16xf32>
      %swap3A_491 = arith.constant 1 : i32
      %swap3A_492 = arith.index_cast %swap3A_491 : i32 to index
      %swap3A_493 = arith.index_cast %add3A_484 : i32 to index
      %swap3A_494 = arith.constant 96 : index
      %swap3A_495 = tpu.vector_load %arg7[%swap3A_492, %swap3A_493, %swap3A_494] {strides = array<i32>} : memref<4x64x128xf32, #tpu.memory_space<vmem>>, vector<1x1x16xf32>,
      %swap3A_496 = vector.shape_cast %swap3A_495 : vector<1x1x16xf32> to vector<16xf32>
      %swap3A_497 = vector.shape_cast %get3A_490 : vector<16xf32> to vector<1x1x16xf32>
      tpu.vector_store %arg7[%swap3A_492, %swap3A_493, %swap3A_494], %swap3A_497 {add = true, strides = array<i32>} : memref<4x64x128xf32, #tpu.memory_space<vmem>>, vector<1x1x16xf32>,
      %add3A_498 = arith.constant 0 : i32
      %add3A_499 = arith.addi %add3A_498, %scan3A_394 : i32
      %add3A_500 = arith.constant 0 : i32
      %add3A_501 = arith.addi %add3A_500, %scan3A_394 : i32
      %get3A_502 = arith.index_cast %add3A_501 : i32 to index
      %get3A_503 = arith.constant 112 : index
      %get3A_504 = tpu.vector_load %arg8[%get3A_502, %get3A_503] {strides = array<i32>} : memref<64x128xf32, #tpu.memory_space<vmem>>, vector<1x16xf32>,
      %get3A_505 = vector.shape_cast %get3A_504 : vector<1x16xf32> to vector<16xf32>
      %swap3A_506 = arith.constant 1 : i32
      %swap3A_507 = arith.index_cast %swap3A_506 : i32 to index
      %swap3A_508 = arith.index_cast %add3A_499 : i32 to index
      %swap3A_509 = arith.constant 112 : index
      %swap3A_510 = tpu.vector_load %arg7[%swap3A_507, %swap3A_508, %swap3A_509] {strides = array<i32>} : memref<4x64x128xf32, #tpu.memory_space<vmem>>, vector<1x1x16xf32>,
      %swap3A_511 = vector.shape_cast %swap3A_510 : vector<1x1x16xf32> to vector<16xf32>
      %swap3A_512 = vector.shape_cast %get3A_505 : vector<16xf32> to vector<1x1x16xf32>
      tpu.vector_store %arg7[%swap3A_507, %swap3A_508, %swap3A_509], %swap3A_512 {add = true, strides = array<i32>} : memref<4x64x128xf32, #tpu.memory_space<vmem>>, vector<1x1x16xf32>,
    }
    %scan3A_203 = arith.constant 64 : i32
    %dma_start3A_204 = arith.constant 1 : i32
    %dma_start3A_205 = arith.constant 1 : i32
    %dma_start3A_206 = arith.constant 0 : i32
    %dma_start3A_207 = arith.constant 0 : i32
    %dma_start3A_208 = tpu.memref_slice %arg7[%dma_start3A_204, %dma_start3A_206, %dma_start3A_207] : memref<4x64x128xf32, #tpu.memory_space<vmem>> -> memref<1x64x128xf32, #tpu.memory_space<vmem>>
    %dma_start3A_209 = tpu.memref_squeeze %dma_start3A_208 : memref<1x64x128xf32, #tpu.memory_space<vmem>> -> memref<64x128xf32, #tpu.memory_space<vmem>>
    %dma_start3A_210 = arith.constant 0 : i32
    %dma_start3A_211 = tpu.memref_slice %arg5[%dma_start3A_205, %mul3A_2, %dma_start3A_210] : memref<4x2048x128xf32, #tpu.memory_space<hbm>> -> memref<1x64x128xf32, #tpu.memory_space<hbm>>
    %dma_start3A_212 = tpu.memref_squeeze %dma_start3A_211 : memref<1x64x128xf32, #tpu.memory_space<hbm>> -> memref<64x128xf32, #tpu.memory_space<hbm>>
    %dma_start3A_213 = arith.constant 0 : i32
    %dma_start3A_214 = tpu.memref_slice %arg5[%dma_start3A_205, %mul3A_2, %dma_start3A_213] : memref<4x2048x128xf32, #tpu.memory_space<hbm>> -> memref<1x64x128xf32, #tpu.memory_space<hbm>>
    %dma_start3A_215 = tpu.memref_squeeze %dma_start3A_214 : memref<1x64x128xf32, #tpu.memory_space<hbm>> -> memref<64x128xf32, #tpu.memory_space<hbm>>
    %dma_start3A_216 = arith.constant 0 : i32
    %dma_start3A_217 = arith.constant 0 : i32
    %dma_start3A_218 = tpu.memref_slice %arg7[%dma_start3A_204, %dma_start3A_216, %dma_start3A_217] : memref<4x64x128xf32, #tpu.memory_space<vmem>> -> memref<1x64x128xf32, #tpu.memory_space<vmem>>
    %dma_start3A_219 = tpu.memref_squeeze %dma_start3A_218 : memref<1x64x128xf32, #tpu.memory_space<vmem>> -> memref<64x128xf32, #tpu.memory_space<vmem>>
    tpu.enqueue_dma source(%dma_start3A_219 : memref<64x128xf32, #tpu.memory_space<vmem>>) target(%dma_start3A_215 : memref<64x128xf32, #tpu.memory_space<hbm>>) target_semaphore(%arg12 : memref<!tpu.dma_semaphore, #tpu.memory_space<semaphore_mem>>)
    %dma_wait3A_220 = arith.constant 2 : i32
    %dma_wait3A_221 = arith.constant 2 : i32
    %dma_wait3A_222 = arith.constant 0 : i32
    %dma_wait3A_223 = arith.constant 0 : i32
    %dma_wait3A_224 = tpu.memref_slice %arg7[%dma_wait3A_221, %dma_wait3A_222, %dma_wait3A_223] : memref<4x64x128xf32, #tpu.memory_space<vmem>> -> memref<1x64x128xf32, #tpu.memory_space<vmem>>
    %dma_wait3A_225 = tpu.memref_squeeze %dma_wait3A_224 : memref<1x64x128xf32, #tpu.memory_space<vmem>> -> memref<64x128xf32, #tpu.memory_space<vmem>>
    %dma_wait3A_226 = arith.constant 0 : i32
    %dma_wait3A_227 = tpu.memref_slice %arg6[%dma_wait3A_220, %dma_wait3A_226] : memref<4x64xi32, #tpu.memory_space<vmem>> -> memref<1x64xi32, #tpu.memory_space<vmem>>
    %dma_wait3A_228 = tpu.memref_squeeze %dma_wait3A_227 : memref<1x64xi32, #tpu.memory_space<vmem>> -> memref<64xi32, #tpu.memory_space<vmem>>
    %dma_wait3A_229 = arith.constant 0 : i32
    %dma_wait3A_230 = arith.constant 0 : i32
    %dma_wait3A_231 = tpu.memref_slice %arg3[%dma_wait3A_229, %dma_wait3A_230] : memref<100000x128xf32, #tpu.memory_space<hbm>> -> memref<100000x128xf32, #tpu.memory_space<hbm>>
    tpu.wait_indirect_dma semaphore(%arg11 : memref<!tpu.dma_semaphore, #tpu.memory_space<semaphore_mem>>) src(%dma_wait3A_231 : memref<100000x128xf32, #tpu.memory_space<hbm>>) dst(%dma_wait3A_225 : memref<64x128xf32, #tpu.memory_space<vmem>>)
    %scan3A_232 = arith.constant 0 : i32
    %scan3A_233 = arith.constant 0 : i32
    %scan3A_234 = arith.constant 64 : i32
    %scan3A_235 = arith.addi %scan3A_233, %scan3A_234 : i32
    %scan3A_236 = arith.constant 1 : i32
    scf.for %scan3A_394 = %scan3A_233 to %scan3A_235 step %scan3A_236  : i32 {
      %add3A_395 = arith.constant 0 : i32
      %add3A_396 = arith.addi %add3A_395, %scan3A_394 : i32
      %add3A_397 = arith.constant 0 : i32
      %add3A_398 = arith.addi %add3A_397, %scan3A_394 : i32
      %get3A = arith.index_cast %add3A_398 : i32 to index
      %get3A_399 = arith.constant 0 : index
      %get3A_400 = tpu.vector_load %arg8[%get3A, %get3A_399] {strides = array<i32>} : memref<64x128xf32, #tpu.memory_space<vmem>>, vector<1x16xf32>,
      %get3A_401 = vector.shape_cast %get3A_400 : vector<1x16xf32> to vector<16xf32>
      %swap3A = arith.constant 2 : i32
      %swap3A_402 = arith.index_cast %swap3A : i32 to index
      %swap3A_403 = arith.index_cast %add3A_396 : i32 to index
      %swap3A_404 = arith.constant 0 : index
      %swap3A_405 = tpu.vector_load %arg7[%swap3A_402, %swap3A_403, %swap3A_404] {strides = array<i32>} : memref<4x64x128xf32, #tpu.memory_space<vmem>>, vector<1x1x16xf32>,
      %swap3A_406 = vector.shape_cast %swap3A_405 : vector<1x1x16xf32> to vector<16xf32>
      %swap3A_407 = vector.shape_cast %get3A_401 : vector<16xf32> to vector<1x1x16xf32>
      tpu.vector_store %arg7[%swap3A_402, %swap3A_403, %swap3A_404], %swap3A_407 {add = true, strides = array<i32>} : memref<4x64x128xf32, #tpu.memory_space<vmem>>, vector<1x1x16xf32>,
      %add3A_408 = arith.constant 0 : i32
      %add3A_409 = arith.addi %add3A_408, %scan3A_394 : i32
      %add3A_410 = arith.constant 0 : i32
      %add3A_411 = arith.addi %add3A_410, %scan3A_394 : i32
      %get3A_412 = arith.index_cast %add3A_411 : i32 to index
      %get3A_413 = arith.constant 16 : index
      %get3A_414 = tpu.vector_load %arg8[%get3A_412, %get3A_413] {strides = array<i32>} : memref<64x128xf32, #tpu.memory_space<vmem>>, vector<1x16xf32>,
      %get3A_415 = vector.shape_cast %get3A_414 : vector<1x16xf32> to vector<16xf32>
      %swap3A_416 = arith.constant 2 : i32
      %swap3A_417 = arith.index_cast %swap3A_416 : i32 to index
      %swap3A_418 = arith.index_cast %add3A_409 : i32 to index
      %swap3A_419 = arith.constant 16 : index
      %swap3A_420 = tpu.vector_load %arg7[%swap3A_417, %swap3A_418, %swap3A_419] {strides = array<i32>} : memref<4x64x128xf32, #tpu.memory_space<vmem>>, vector<1x1x16xf32>,
      %swap3A_421 = vector.shape_cast %swap3A_420 : vector<1x1x16xf32> to vector<16xf32>
      %swap3A_422 = vector.shape_cast %get3A_415 : vector<16xf32> to vector<1x1x16xf32>
      tpu.vector_store %arg7[%swap3A_417, %swap3A_418, %swap3A_419], %swap3A_422 {add = true, strides = array<i32>} : memref<4x64x128xf32, #tpu.memory_space<vmem>>, vector<1x1x16xf32>,
      %add3A_423 = arith.constant 0 : i32
      %add3A_424 = arith.addi %add3A_423, %scan3A_394 : i32
      %add3A_425 = arith.constant 0 : i32
      %add3A_426 = arith.addi %add3A_425, %scan3A_394 : i32
      %get3A_427 = arith.index_cast %add3A_426 : i32 to index
      %get3A_428 = arith.constant 32 : index
      %get3A_429 = tpu.vector_load %arg8[%get3A_427, %get3A_428] {strides = array<i32>} : memref<64x128xf32, #tpu.memory_space<vmem>>, vector<1x16xf32>,
      %get3A_430 = vector.shape_cast %get3A_429 : vector<1x16xf32> to vector<16xf32>
      %swap3A_431 = arith.constant 2 : i32
      %swap3A_432 = arith.index_cast %swap3A_431 : i32 to index
      %swap3A_433 = arith.index_cast %add3A_424 : i32 to index
      %swap3A_434 = arith.constant 32 : index
      %swap3A_435 = tpu.vector_load %arg7[%swap3A_432, %swap3A_433, %swap3A_434] {strides = array<i32>} : memref<4x64x128xf32, #tpu.memory_space<vmem>>, vector<1x1x16xf32>,
      %swap3A_436 = vector.shape_cast %swap3A_435 : vector<1x1x16xf32> to vector<16xf32>
      %swap3A_437 = vector.shape_cast %get3A_430 : vector<16xf32> to vector<1x1x16xf32>
      tpu.vector_store %arg7[%swap3A_432, %swap3A_433, %swap3A_434], %swap3A_437 {add = true, strides = array<i32>} : memref<4x64x128xf32, #tpu.memory_space<vmem>>, vector<1x1x16xf32>,
      %add3A_438 = arith.constant 0 : i32
      %add3A_439 = arith.addi %add3A_438, %scan3A_394 : i32
      %add3A_440 = arith.constant 0 : i32
      %add3A_441 = arith.addi %add3A_440, %scan3A_394 : i32
      %get3A_442 = arith.index_cast %add3A_441 : i32 to index
      %get3A_443 = arith.constant 48 : index
      %get3A_444 = tpu.vector_load %arg8[%get3A_442, %get3A_443] {strides = array<i32>} : memref<64x128xf32, #tpu.memory_space<vmem>>, vector<1x16xf32>,
      %get3A_445 = vector.shape_cast %get3A_444 : vector<1x16xf32> to vector<16xf32>
      %swap3A_446 = arith.constant 2 : i32
      %swap3A_447 = arith.index_cast %swap3A_446 : i32 to index
      %swap3A_448 = arith.index_cast %add3A_439 : i32 to index
      %swap3A_449 = arith.constant 48 : index
      %swap3A_450 = tpu.vector_load %arg7[%swap3A_447, %swap3A_448, %swap3A_449] {strides = array<i32>} : memref<4x64x128xf32, #tpu.memory_space<vmem>>, vector<1x1x16xf32>,
      %swap3A_451 = vector.shape_cast %swap3A_450 : vector<1x1x16xf32> to vector<16xf32>
      %swap3A_452 = vector.shape_cast %get3A_445 : vector<16xf32> to vector<1x1x16xf32>
      tpu.vector_store %arg7[%swap3A_447, %swap3A_448, %swap3A_449], %swap3A_452 {add = true, strides = array<i32>} : memref<4x64x128xf32, #tpu.memory_space<vmem>>, vector<1x1x16xf32>,
      %add3A_453 = arith.constant 0 : i32
      %add3A_454 = arith.addi %add3A_453, %scan3A_394 : i32
      %add3A_455 = arith.constant 0 : i32
      %add3A_456 = arith.addi %add3A_455, %scan3A_394 : i32
      %get3A_457 = arith.index_cast %add3A_456 : i32 to index
      %get3A_458 = arith.constant 64 : index
      %get3A_459 = tpu.vector_load %arg8[%get3A_457, %get3A_458] {strides = array<i32>} : memref<64x128xf32, #tpu.memory_space<vmem>>, vector<1x16xf32>,
      %get3A_460 = vector.shape_cast %get3A_459 : vector<1x16xf32> to vector<16xf32>
      %swap3A_461 = arith.constant 2 : i32
      %swap3A_462 = arith.index_cast %swap3A_461 : i32 to index
      %swap3A_463 = arith.index_cast %add3A_454 : i32 to index
      %swap3A_464 = arith.constant 64 : index
      %swap3A_465 = tpu.vector_load %arg7[%swap3A_462, %swap3A_463, %swap3A_464] {strides = array<i32>} : memref<4x64x128xf32, #tpu.memory_space<vmem>>, vector<1x1x16xf32>,
      %swap3A_466 = vector.shape_cast %swap3A_465 : vector<1x1x16xf32> to vector<16xf32>
      %swap3A_467 = vector.shape_cast %get3A_460 : vector<16xf32> to vector<1x1x16xf32>
      tpu.vector_store %arg7[%swap3A_462, %swap3A_463, %swap3A_464], %swap3A_467 {add = true, strides = array<i32>} : memref<4x64x128xf32, #tpu.memory_space<vmem>>, vector<1x1x16xf32>,
      %add3A_468 = arith.constant 0 : i32
      %add3A_469 = arith.addi %add3A_468, %scan3A_394 : i32
      %add3A_470 = arith.constant 0 : i32
      %add3A_471 = arith.addi %add3A_470, %scan3A_394 : i32
      %get3A_472 = arith.index_cast %add3A_471 : i32 to index
      %get3A_473 = arith.constant 80 : index
      %get3A_474 = tpu.vector_load %arg8[%get3A_472, %get3A_473] {strides = array<i32>} : memref<64x128xf32, #tpu.memory_space<vmem>>, vector<1x16xf32>,
      %get3A_475 = vector.shape_cast %get3A_474 : vector<1x16xf32> to vector<16xf32>
      %swap3A_476 = arith.constant 2 : i32
      %swap3A_477 = arith.index_cast %swap3A_476 : i32 to index
      %swap3A_478 = arith.index_cast %add3A_469 : i32 to index
      %swap3A_479 = arith.constant 80 : index
      %swap3A_480 = tpu.vector_load %arg7[%swap3A_477, %swap3A_478, %swap3A_479] {strides = array<i32>} : memref<4x64x128xf32, #tpu.memory_space<vmem>>, vector<1x1x16xf32>,
      %swap3A_481 = vector.shape_cast %swap3A_480 : vector<1x1x16xf32> to vector<16xf32>
      %swap3A_482 = vector.shape_cast %get3A_475 : vector<16xf32> to vector<1x1x16xf32>
      tpu.vector_store %arg7[%swap3A_477, %swap3A_478, %swap3A_479], %swap3A_482 {add = true, strides = array<i32>} : memref<4x64x128xf32, #tpu.memory_space<vmem>>, vector<1x1x16xf32>,
      %add3A_483 = arith.constant 0 : i32
      %add3A_484 = arith.addi %add3A_483, %scan3A_394 : i32
      %add3A_485 = arith.constant 0 : i32
      %add3A_486 = arith.addi %add3A_485, %scan3A_394 : i32
      %get3A_487 = arith.index_cast %add3A_486 : i32 to index
      %get3A_488 = arith.constant 96 : index
      %get3A_489 = tpu.vector_load %arg8[%get3A_487, %get3A_488] {strides = array<i32>} : memref<64x128xf32, #tpu.memory_space<vmem>>, vector<1x16xf32>,
      %get3A_490 = vector.shape_cast %get3A_489 : vector<1x16xf32> to vector<16xf32>
      %swap3A_491 = arith.constant 2 : i32
      %swap3A_492 = arith.index_cast %swap3A_491 : i32 to index
      %swap3A_493 = arith.index_cast %add3A_484 : i32 to index
      %swap3A_494 = arith.constant 96 : index
      %swap3A_495 = tpu.vector_load %arg7[%swap3A_492, %swap3A_493, %swap3A_494] {strides = array<i32>} : memref<4x64x128xf32, #tpu.memory_space<vmem>>, vector<1x1x16xf32>,
      %swap3A_496 = vector.shape_cast %swap3A_495 : vector<1x1x16xf32> to vector<16xf32>
      %swap3A_497 = vector.shape_cast %get3A_490 : vector<16xf32> to vector<1x1x16xf32>
      tpu.vector_store %arg7[%swap3A_492, %swap3A_493, %swap3A_494], %swap3A_497 {add = true, strides = array<i32>} : memref<4x64x128xf32, #tpu.memory_space<vmem>>, vector<1x1x16xf32>,
      %add3A_498 = arith.constant 0 : i32
      %add3A_499 = arith.addi %add3A_498, %scan3A_394 : i32
      %add3A_500 = arith.constant 0 : i32
      %add3A_501 = arith.addi %add3A_500, %scan3A_394 : i32
      %get3A_502 = arith.index_cast %add3A_501 : i32 to index
      %get3A_503 = arith.constant 112 : index
      %get3A_504 = tpu.vector_load %arg8[%get3A_502, %get3A_503] {strides = array<i32>} : memref<64x128xf32, #tpu.memory_space<vmem>>, vector<1x16xf32>,
      %get3A_505 = vector.shape_cast %get3A_504 : vector<1x16xf32> to vector<16xf32>
      %swap3A_506 = arith.constant 2 : i32
      %swap3A_507 = arith.index_cast %swap3A_506 : i32 to index
      %swap3A_508 = arith.index_cast %add3A_499 : i32 to index
      %swap3A_509 = arith.constant 112 : index
      %swap3A_510 = tpu.vector_load %arg7[%swap3A_507, %swap3A_508, %swap3A_509] {strides = array<i32>} : memref<4x64x128xf32, #tpu.memory_space<vmem>>, vector<1x1x16xf32>,
      %swap3A_511 = vector.shape_cast %swap3A_510 : vector<1x1x16xf32> to vector<16xf32>
      %swap3A_512 = vector.shape_cast %get3A_505 : vector<16xf32> to vector<1x1x16xf32>
      tpu.vector_store %arg7[%swap3A_507, %swap3A_508, %swap3A_509], %swap3A_512 {add = true, strides = array<i32>} : memref<4x64x128xf32, #tpu.memory_space<vmem>>, vector<1x1x16xf32>,
    }
    %scan3A_237 = arith.constant 64 : i32
    %dma_start3A_238 = arith.constant 2 : i32
    %dma_start3A_239 = arith.constant 2 : i32
    %dma_start3A_240 = arith.constant 0 : i32
    %dma_start3A_241 = arith.constant 0 : i32
    %dma_start3A_242 = tpu.memref_slice %arg7[%dma_start3A_238, %dma_start3A_240, %dma_start3A_241] : memref<4x64x128xf32, #tpu.memory_space<vmem>> -> memref<1x64x128xf32, #tpu.memory_space<vmem>>
    %dma_start3A_243 = tpu.memref_squeeze %dma_start3A_242 : memref<1x64x128xf32, #tpu.memory_space<vmem>> -> memref<64x128xf32, #tpu.memory_space<vmem>>
    %dma_start3A_244 = arith.constant 0 : i32
    %dma_start3A_245 = tpu.memref_slice %arg5[%dma_start3A_239, %mul3A_2, %dma_start3A_244] : memref<4x2048x128xf32, #tpu.memory_space<hbm>> -> memref<1x64x128xf32, #tpu.memory_space<hbm>>
    %dma_start3A_246 = tpu.memref_squeeze %dma_start3A_245 : memref<1x64x128xf32, #tpu.memory_space<hbm>> -> memref<64x128xf32, #tpu.memory_space<hbm>>
    %dma_start3A_247 = arith.constant 0 : i32
    %dma_start3A_248 = tpu.memref_slice %arg5[%dma_start3A_239, %mul3A_2, %dma_start3A_247] : memref<4x2048x128xf32, #tpu.memory_space<hbm>> -> memref<1x64x128xf32, #tpu.memory_space<hbm>>
    %dma_start3A_249 = tpu.memref_squeeze %dma_start3A_248 : memref<1x64x128xf32, #tpu.memory_space<hbm>> -> memref<64x128xf32, #tpu.memory_space<hbm>>
    %dma_start3A_250 = arith.constant 0 : i32
    %dma_start3A_251 = arith.constant 0 : i32
    %dma_start3A_252 = tpu.memref_slice %arg7[%dma_start3A_238, %dma_start3A_250, %dma_start3A_251] : memref<4x64x128xf32, #tpu.memory_space<vmem>> -> memref<1x64x128xf32, #tpu.memory_space<vmem>>
    %dma_start3A_253 = tpu.memref_squeeze %dma_start3A_252 : memref<1x64x128xf32, #tpu.memory_space<vmem>> -> memref<64x128xf32, #tpu.memory_space<vmem>>
    tpu.enqueue_dma source(%dma_start3A_253 : memref<64x128xf32, #tpu.memory_space<vmem>>) target(%dma_start3A_249 : memref<64x128xf32, #tpu.memory_space<hbm>>) target_semaphore(%arg12 : memref<!tpu.dma_semaphore, #tpu.memory_space<semaphore_mem>>)
    %dma_wait3A_254 = arith.constant 3 : i32
    %dma_wait3A_255 = arith.constant 3 : i32
    %dma_wait3A_256 = arith.constant 0 : i32
    %dma_wait3A_257 = arith.constant 0 : i32
    %dma_wait3A_258 = tpu.memref_slice %arg7[%dma_wait3A_255, %dma_wait3A_256, %dma_wait3A_257] : memref<4x64x128xf32, #tpu.memory_space<vmem>> -> memref<1x64x128xf32, #tpu.memory_space<vmem>>
    %dma_wait3A_259 = tpu.memref_squeeze %dma_wait3A_258 : memref<1x64x128xf32, #tpu.memory_space<vmem>> -> memref<64x128xf32, #tpu.memory_space<vmem>>
    %dma_wait3A_260 = arith.constant 0 : i32
    %dma_wait3A_261 = tpu.memref_slice %arg6[%dma_wait3A_254, %dma_wait3A_260] : memref<4x64xi32, #tpu.memory_space<vmem>> -> memref<1x64xi32, #tpu.memory_space<vmem>>
    %dma_wait3A_262 = tpu.memref_squeeze %dma_wait3A_261 : memref<1x64xi32, #tpu.memory_space<vmem>> -> memref<64xi32, #tpu.memory_space<vmem>>
    %dma_wait3A_263 = arith.constant 0 : i32
    %dma_wait3A_264 = arith.constant 0 : i32
    %dma_wait3A_265 = tpu.memref_slice %arg3[%dma_wait3A_263, %dma_wait3A_264] : memref<100000x128xf32, #tpu.memory_space<hbm>> -> memref<100000x128xf32, #tpu.memory_space<hbm>>
    tpu.wait_indirect_dma semaphore(%arg11 : memref<!tpu.dma_semaphore, #tpu.memory_space<semaphore_mem>>) src(%dma_wait3A_265 : memref<100000x128xf32, #tpu.memory_space<hbm>>) dst(%dma_wait3A_259 : memref<64x128xf32, #tpu.memory_space<vmem>>)
    %scan3A_266 = arith.constant 0 : i32
    %scan3A_267 = arith.constant 0 : i32
    %scan3A_268 = arith.constant 32 : i32
    %scan3A_269 = arith.addi %scan3A_267, %scan3A_268 : i32
    %scan3A_270 = arith.constant 1 : i32
    scf.for %scan3A_394 = %scan3A_267 to %scan3A_269 step %scan3A_270  : i32 {
      %add3A_395 = arith.constant 0 : i32
      %add3A_396 = arith.addi %add3A_395, %scan3A_394 : i32
      %add3A_397 = arith.constant 0 : i32
      %add3A_398 = arith.addi %add3A_397, %scan3A_394 : i32
      %get3A = arith.index_cast %add3A_398 : i32 to index
      %get3A_399 = arith.constant 0 : index
      %get3A_400 = tpu.vector_load %arg8[%get3A, %get3A_399] {strides = array<i32>} : memref<64x128xf32, #tpu.memory_space<vmem>>, vector<1x16xf32>,
      %get3A_401 = vector.shape_cast %get3A_400 : vector<1x16xf32> to vector<16xf32>
      %swap3A = arith.constant 3 : i32
      %swap3A_402 = arith.index_cast %swap3A : i32 to index
      %swap3A_403 = arith.index_cast %add3A_396 : i32 to index
      %swap3A_404 = arith.constant 0 : index
      %swap3A_405 = tpu.vector_load %arg7[%swap3A_402, %swap3A_403, %swap3A_404] {strides = array<i32>} : memref<4x64x128xf32, #tpu.memory_space<vmem>>, vector<1x1x16xf32>,
      %swap3A_406 = vector.shape_cast %swap3A_405 : vector<1x1x16xf32> to vector<16xf32>
      %swap3A_407 = vector.shape_cast %get3A_401 : vector<16xf32> to vector<1x1x16xf32>
      tpu.vector_store %arg7[%swap3A_402, %swap3A_403, %swap3A_404], %swap3A_407 {add = true, strides = array<i32>} : memref<4x64x128xf32, #tpu.memory_space<vmem>>, vector<1x1x16xf32>,
      %add3A_408 = arith.constant 0 : i32
      %add3A_409 = arith.addi %add3A_408, %scan3A_394 : i32
      %add3A_410 = arith.constant 0 : i32
      %add3A_411 = arith.addi %add3A_410, %scan3A_394 : i32
      %get3A_412 = arith.index_cast %add3A_411 : i32 to index
      %get3A_413 = arith.constant 16 : index
      %get3A_414 = tpu.vector_load %arg8[%get3A_412, %get3A_413] {strides = array<i32>} : memref<64x128xf32, #tpu.memory_space<vmem>>, vector<1x16xf32>,
      %get3A_415 = vector.shape_cast %get3A_414 : vector<1x16xf32> to vector<16xf32>
      %swap3A_416 = arith.constant 3 : i32
      %swap3A_417 = arith.index_cast %swap3A_416 : i32 to index
      %swap3A_418 = arith.index_cast %add3A_409 : i32 to index
      %swap3A_419 = arith.constant 16 : index
      %swap3A_420 = tpu.vector_load %arg7[%swap3A_417, %swap3A_418, %swap3A_419] {strides = array<i32>} : memref<4x64x128xf32, #tpu.memory_space<vmem>>, vector<1x1x16xf32>,
      %swap3A_421 = vector.shape_cast %swap3A_420 : vector<1x1x16xf32> to vector<16xf32>
      %swap3A_422 = vector.shape_cast %get3A_415 : vector<16xf32> to vector<1x1x16xf32>
      tpu.vector_store %arg7[%swap3A_417, %swap3A_418, %swap3A_419], %swap3A_422 {add = true, strides = array<i32>} : memref<4x64x128xf32, #tpu.memory_space<vmem>>, vector<1x1x16xf32>,
      %add3A_423 = arith.constant 0 : i32
      %add3A_424 = arith.addi %add3A_423, %scan3A_394 : i32
      %add3A_425 = arith.constant 0 : i32
      %add3A_426 = arith.addi %add3A_425, %scan3A_394 : i32
      %get3A_427 = arith.index_cast %add3A_426 : i32 to index
      %get3A_428 = arith.constant 32 : index
      %get3A_429 = tpu.vector_load %arg8[%get3A_427, %get3A_428] {strides = array<i32>} : memref<64x128xf32, #tpu.memory_space<vmem>>, vector<1x16xf32>,
      %get3A_430 = vector.shape_cast %get3A_429 : vector<1x16xf32> to vector<16xf32>
      %swap3A_431 = arith.constant 3 : i32
      %swap3A_432 = arith.index_cast %swap3A_431 : i32 to index
      %swap3A_433 = arith.index_cast %add3A_424 : i32 to index
      %swap3A_434 = arith.constant 32 : index
      %swap3A_435 = tpu.vector_load %arg7[%swap3A_432, %swap3A_433, %swap3A_434] {strides = array<i32>} : memref<4x64x128xf32, #tpu.memory_space<vmem>>, vector<1x1x16xf32>,
      %swap3A_436 = vector.shape_cast %swap3A_435 : vector<1x1x16xf32> to vector<16xf32>
      %swap3A_437 = vector.shape_cast %get3A_430 : vector<16xf32> to vector<1x1x16xf32>
      tpu.vector_store %arg7[%swap3A_432, %swap3A_433, %swap3A_434], %swap3A_437 {add = true, strides = array<i32>} : memref<4x64x128xf32, #tpu.memory_space<vmem>>, vector<1x1x16xf32>,
      %add3A_438 = arith.constant 0 : i32
      %add3A_439 = arith.addi %add3A_438, %scan3A_394 : i32
      %add3A_440 = arith.constant 0 : i32
      %add3A_441 = arith.addi %add3A_440, %scan3A_394 : i32
      %get3A_442 = arith.index_cast %add3A_441 : i32 to index
      %get3A_443 = arith.constant 48 : index
      %get3A_444 = tpu.vector_load %arg8[%get3A_442, %get3A_443] {strides = array<i32>} : memref<64x128xf32, #tpu.memory_space<vmem>>, vector<1x16xf32>,
      %get3A_445 = vector.shape_cast %get3A_444 : vector<1x16xf32> to vector<16xf32>
      %swap3A_446 = arith.constant 3 : i32
      %swap3A_447 = arith.index_cast %swap3A_446 : i32 to index
      %swap3A_448 = arith.index_cast %add3A_439 : i32 to index
      %swap3A_449 = arith.constant 48 : index
      %swap3A_450 = tpu.vector_load %arg7[%swap3A_447, %swap3A_448, %swap3A_449] {strides = array<i32>} : memref<4x64x128xf32, #tpu.memory_space<vmem>>, vector<1x1x16xf32>,
      %swap3A_451 = vector.shape_cast %swap3A_450 : vector<1x1x16xf32> to vector<16xf32>
      %swap3A_452 = vector.shape_cast %get3A_445 : vector<16xf32> to vector<1x1x16xf32>
      tpu.vector_store %arg7[%swap3A_447, %swap3A_448, %swap3A_449], %swap3A_452 {add = true, strides = array<i32>} : memref<4x64x128xf32, #tpu.memory_space<vmem>>, vector<1x1x16xf32>,
      %add3A_453 = arith.constant 0 : i32
      %add3A_454 = arith.addi %add3A_453, %scan3A_394 : i32
      %add3A_455 = arith.constant 0 : i32
      %add3A_456 = arith.addi %add3A_455, %scan3A_394 : i32
      %get3A_457 = arith.index_cast %add3A_456 : i32 to index
      %get3A_458 = arith.constant 64 : index
      %get3A_459 = tpu.vector_load %arg8[%get3A_457, %get3A_458] {strides = array<i32>} : memref<64x128xf32, #tpu.memory_space<vmem>>, vector<1x16xf32>,
      %get3A_460 = vector.shape_cast %get3A_459 : vector<1x16xf32> to vector<16xf32>
      %swap3A_461 = arith.constant 3 : i32
      %swap3A_462 = arith.index_cast %swap3A_461 : i32 to index
      %swap3A_463 = arith.index_cast %add3A_454 : i32 to index
      %swap3A_464 = arith.constant 64 : index
      %swap3A_465 = tpu.vector_load %arg7[%swap3A_462, %swap3A_463, %swap3A_464] {strides = array<i32>} : memref<4x64x128xf32, #tpu.memory_space<vmem>>, vector<1x1x16xf32>,
      %swap3A_466 = vector.shape_cast %swap3A_465 : vector<1x1x16xf32> to vector<16xf32>
      %swap3A_467 = vector.shape_cast %get3A_460 : vector<16xf32> to vector<1x1x16xf32>
      tpu.vector_store %arg7[%swap3A_462, %swap3A_463, %swap3A_464], %swap3A_467 {add = true, strides = array<i32>} : memref<4x64x128xf32, #tpu.memory_space<vmem>>, vector<1x1x16xf32>,
      %add3A_468 = arith.constant 0 : i32
      %add3A_469 = arith.addi %add3A_468, %scan3A_394 : i32
      %add3A_470 = arith.constant 0 : i32
      %add3A_471 = arith.addi %add3A_470, %scan3A_394 : i32
      %get3A_472 = arith.index_cast %add3A_471 : i32 to index
      %get3A_473 = arith.constant 80 : index
      %get3A_474 = tpu.vector_load %arg8[%get3A_472, %get3A_473] {strides = array<i32>} : memref<64x128xf32, #tpu.memory_space<vmem>>, vector<1x16xf32>,
      %get3A_475 = vector.shape_cast %get3A_474 : vector<1x16xf32> to vector<16xf32>
      %swap3A_476 = arith.constant 3 : i32
      %swap3A_477 = arith.index_cast %swap3A_476 : i32 to index
      %swap3A_478 = arith.index_cast %add3A_469 : i32 to index
      %swap3A_479 = arith.constant 80 : index
      %swap3A_480 = tpu.vector_load %arg7[%swap3A_477, %swap3A_478, %swap3A_479] {strides = array<i32>} : memref<4x64x128xf32, #tpu.memory_space<vmem>>, vector<1x1x16xf32>,
      %swap3A_481 = vector.shape_cast %swap3A_480 : vector<1x1x16xf32> to vector<16xf32>
      %swap3A_482 = vector.shape_cast %get3A_475 : vector<16xf32> to vector<1x1x16xf32>
      tpu.vector_store %arg7[%swap3A_477, %swap3A_478, %swap3A_479], %swap3A_482 {add = true, strides = array<i32>} : memref<4x64x128xf32, #tpu.memory_space<vmem>>, vector<1x1x16xf32>,
      %add3A_483 = arith.constant 0 : i32
      %add3A_484 = arith.addi %add3A_483, %scan3A_394 : i32
      %add3A_485 = arith.constant 0 : i32
      %add3A_486 = arith.addi %add3A_485, %scan3A_394 : i32
      %get3A_487 = arith.index_cast %add3A_486 : i32 to index
      %get3A_488 = arith.constant 96 : index
      %get3A_489 = tpu.vector_load %arg8[%get3A_487, %get3A_488] {strides = array<i32>} : memref<64x128xf32, #tpu.memory_space<vmem>>, vector<1x16xf32>,
      %get3A_490 = vector.shape_cast %get3A_489 : vector<1x16xf32> to vector<16xf32>
      %swap3A_491 = arith.constant 3 : i32
      %swap3A_492 = arith.index_cast %swap3A_491 : i32 to index
      %swap3A_493 = arith.index_cast %add3A_484 : i32 to index
      %swap3A_494 = arith.constant 96 : index
      %swap3A_495 = tpu.vector_load %arg7[%swap3A_492, %swap3A_493, %swap3A_494] {strides = array<i32>} : memref<4x64x128xf32, #tpu.memory_space<vmem>>, vector<1x1x16xf32>,
      %swap3A_496 = vector.shape_cast %swap3A_495 : vector<1x1x16xf32> to vector<16xf32>
      %swap3A_497 = vector.shape_cast %get3A_490 : vector<16xf32> to vector<1x1x16xf32>
      tpu.vector_store %arg7[%swap3A_492, %swap3A_493, %swap3A_494], %swap3A_497 {add = true, strides = array<i32>} : memref<4x64x128xf32, #tpu.memory_space<vmem>>, vector<1x1x16xf32>,
      %add3A_498 = arith.constant 0 : i32
      %add3A_499 = arith.addi %add3A_498, %scan3A_394 : i32
      %add3A_500 = arith.constant 0 : i32
      %add3A_501 = arith.addi %add3A_500, %scan3A_394 : i32
      %get3A_502 = arith.index_cast %add3A_501 : i32 to index
      %get3A_503 = arith.constant 112 : index
      %get3A_504 = tpu.vector_load %arg8[%get3A_502, %get3A_503] {strides = array<i32>} : memref<64x128xf32, #tpu.memory_space<vmem>>, vector<1x16xf32>,
      %get3A_505 = vector.shape_cast %get3A_504 : vector<1x16xf32> to vector<16xf32>
      %swap3A_506 = arith.constant 3 : i32
      %swap3A_507 = arith.index_cast %swap3A_506 : i32 to index
      %swap3A_508 = arith.index_cast %add3A_499 : i32 to index
      %swap3A_509 = arith.constant 112 : index
      %swap3A_510 = tpu.vector_load %arg7[%swap3A_507, %swap3A_508, %swap3A_509] {strides = array<i32>} : memref<4x64x128xf32, #tpu.memory_space<vmem>>, vector<1x1x16xf32>,
      %swap3A_511 = vector.shape_cast %swap3A_510 : vector<1x1x16xf32> to vector<16xf32>
      %swap3A_512 = vector.shape_cast %get3A_505 : vector<16xf32> to vector<1x1x16xf32>
      tpu.vector_store %arg7[%swap3A_507, %swap3A_508, %swap3A_509], %swap3A_512 {add = true, strides = array<i32>} : memref<4x64x128xf32, #tpu.memory_space<vmem>>, vector<1x1x16xf32>,
    }
    %scan3A_271 = arith.constant 32 : i32
    %add3A_272 = arith.constant 0 : i32
    %add3A_273 = arith.addi %mul3A_2, %add3A_272 : i32
    %dma_start3A_274 = arith.constant 3 : i32
    %dma_start3A_275 = arith.constant 3 : i32
    %dma_start3A_276 = arith.constant 0 : i32
    %dma_start3A_277 = arith.constant 0 : i32
    %dma_start3A_278 = tpu.memref_slice %arg7[%dma_start3A_274, %dma_start3A_276, %dma_start3A_277] : memref<4x64x128xf32, #tpu.memory_space<vmem>> -> memref<1x32x128xf32, #tpu.memory_space<vmem>>
    %dma_start3A_279 = tpu.memref_squeeze %dma_start3A_278 : memref<1x32x128xf32, #tpu.memory_space<vmem>> -> memref<32x128xf32, #tpu.memory_space<vmem>>
    %dma_start3A_280 = arith.constant 0 : i32
    %dma_start3A_281 = tpu.memref_slice %arg5[%dma_start3A_275, %add3A_273, %dma_start3A_280] : memref<4x2048x128xf32, #tpu.memory_space<hbm>> -> memref<1x32x128xf32, #tpu.memory_space<hbm>>
    %dma_start3A_282 = tpu.memref_squeeze %dma_start3A_281 : memref<1x32x128xf32, #tpu.memory_space<hbm>> -> memref<32x128xf32, #tpu.memory_space<hbm>>
    %dma_start3A_283 = arith.constant 0 : i32
    %dma_start3A_284 = tpu.memref_slice %arg5[%dma_start3A_275, %add3A_273, %dma_start3A_283] : memref<4x2048x128xf32, #tpu.memory_space<hbm>> -> memref<1x32x128xf32, #tpu.memory_space<hbm>>
    %dma_start3A_285 = tpu.memref_squeeze %dma_start3A_284 : memref<1x32x128xf32, #tpu.memory_space<hbm>> -> memref<32x128xf32, #tpu.memory_space<hbm>>
    %dma_start3A_286 = arith.constant 0 : i32
    %dma_start3A_287 = arith.constant 0 : i32
    %dma_start3A_288 = tpu.memref_slice %arg7[%dma_start3A_274, %dma_start3A_286, %dma_start3A_287] : memref<4x64x128xf32, #tpu.memory_space<vmem>> -> memref<1x32x128xf32, #tpu.memory_space<vmem>>
    %dma_start3A_289 = tpu.memref_squeeze %dma_start3A_288 : memref<1x32x128xf32, #tpu.memory_space<vmem>> -> memref<32x128xf32, #tpu.memory_space<vmem>>
    tpu.enqueue_dma source(%dma_start3A_289 : memref<32x128xf32, #tpu.memory_space<vmem>>) target(%dma_start3A_285 : memref<32x128xf32, #tpu.memory_space<hbm>>) target_semaphore(%arg12 : memref<!tpu.dma_semaphore, #tpu.memory_space<semaphore_mem>>)
    %scan3A_290 = arith.constant 0 : i32
    %scan3A_291 = arith.constant 0 : i32
    %scan3A_292 = arith.constant 32 : i32
    %scan3A_293 = arith.addi %scan3A_291, %scan3A_292 : i32
    %scan3A_294 = arith.constant 1 : i32
    scf.for %scan3A_394 = %scan3A_291 to %scan3A_293 step %scan3A_294  : i32 {
      %add3A_395 = arith.constant 32 : i32
      %add3A_396 = arith.addi %add3A_395, %scan3A_394 : i32
      %add3A_397 = arith.constant 32 : i32
      %add3A_398 = arith.addi %add3A_397, %scan3A_394 : i32
      %get3A = arith.index_cast %add3A_398 : i32 to index
      %get3A_399 = arith.constant 0 : index
      %get3A_400 = tpu.vector_load %arg8[%get3A, %get3A_399] {strides = array<i32>} : memref<64x128xf32, #tpu.memory_space<vmem>>, vector<1x16xf32>,
      %get3A_401 = vector.shape_cast %get3A_400 : vector<1x16xf32> to vector<16xf32>
      %swap3A = arith.constant 3 : i32
      %swap3A_402 = arith.index_cast %swap3A : i32 to index
      %swap3A_403 = arith.index_cast %add3A_396 : i32 to index
      %swap3A_404 = arith.constant 0 : index
      %swap3A_405 = tpu.vector_load %arg7[%swap3A_402, %swap3A_403, %swap3A_404] {strides = array<i32>} : memref<4x64x128xf32, #tpu.memory_space<vmem>>, vector<1x1x16xf32>,
      %swap3A_406 = vector.shape_cast %swap3A_405 : vector<1x1x16xf32> to vector<16xf32>
      %swap3A_407 = vector.shape_cast %get3A_401 : vector<16xf32> to vector<1x1x16xf32>
      tpu.vector_store %arg7[%swap3A_402, %swap3A_403, %swap3A_404], %swap3A_407 {add = true, strides = array<i32>} : memref<4x64x128xf32, #tpu.memory_space<vmem>>, vector<1x1x16xf32>,
      %add3A_408 = arith.constant 32 : i32
      %add3A_409 = arith.addi %add3A_408, %scan3A_394 : i32
      %add3A_410 = arith.constant 32 : i32
      %add3A_411 = arith.addi %add3A_410, %scan3A_394 : i32
      %get3A_412 = arith.index_cast %add3A_411 : i32 to index
      %get3A_413 = arith.constant 16 : index
      %get3A_414 = tpu.vector_load %arg8[%get3A_412, %get3A_413] {strides = array<i32>} : memref<64x128xf32, #tpu.memory_space<vmem>>, vector<1x16xf32>,
      %get3A_415 = vector.shape_cast %get3A_414 : vector<1x16xf32> to vector<16xf32>
      %swap3A_416 = arith.constant 3 : i32
      %swap3A_417 = arith.index_cast %swap3A_416 : i32 to index
      %swap3A_418 = arith.index_cast %add3A_409 : i32 to index
      %swap3A_419 = arith.constant 16 : index
      %swap3A_420 = tpu.vector_load %arg7[%swap3A_417, %swap3A_418, %swap3A_419] {strides = array<i32>} : memref<4x64x128xf32, #tpu.memory_space<vmem>>, vector<1x1x16xf32>,
      %swap3A_421 = vector.shape_cast %swap3A_420 : vector<1x1x16xf32> to vector<16xf32>
      %swap3A_422 = vector.shape_cast %get3A_415 : vector<16xf32> to vector<1x1x16xf32>
      tpu.vector_store %arg7[%swap3A_417, %swap3A_418, %swap3A_419], %swap3A_422 {add = true, strides = array<i32>} : memref<4x64x128xf32, #tpu.memory_space<vmem>>, vector<1x1x16xf32>,
      %add3A_423 = arith.constant 32 : i32
      %add3A_424 = arith.addi %add3A_423, %scan3A_394 : i32
      %add3A_425 = arith.constant 32 : i32
      %add3A_426 = arith.addi %add3A_425, %scan3A_394 : i32
      %get3A_427 = arith.index_cast %add3A_426 : i32 to index
      %get3A_428 = arith.constant 32 : index
      %get3A_429 = tpu.vector_load %arg8[%get3A_427, %get3A_428] {strides = array<i32>} : memref<64x128xf32, #tpu.memory_space<vmem>>, vector<1x16xf32>,
      %get3A_430 = vector.shape_cast %get3A_429 : vector<1x16xf32> to vector<16xf32>
      %swap3A_431 = arith.constant 3 : i32
      %swap3A_432 = arith.index_cast %swap3A_431 : i32 to index
      %swap3A_433 = arith.index_cast %add3A_424 : i32 to index
      %swap3A_434 = arith.constant 32 : index
      %swap3A_435 = tpu.vector_load %arg7[%swap3A_432, %swap3A_433, %swap3A_434] {strides = array<i32>} : memref<4x64x128xf32, #tpu.memory_space<vmem>>, vector<1x1x16xf32>,
      %swap3A_436 = vector.shape_cast %swap3A_435 : vector<1x1x16xf32> to vector<16xf32>
      %swap3A_437 = vector.shape_cast %get3A_430 : vector<16xf32> to vector<1x1x16xf32>
      tpu.vector_store %arg7[%swap3A_432, %swap3A_433, %swap3A_434], %swap3A_437 {add = true, strides = array<i32>} : memref<4x64x128xf32, #tpu.memory_space<vmem>>, vector<1x1x16xf32>,
      %add3A_438 = arith.constant 32 : i32
      %add3A_439 = arith.addi %add3A_438, %scan3A_394 : i32
      %add3A_440 = arith.constant 32 : i32
      %add3A_441 = arith.addi %add3A_440, %scan3A_394 : i32
      %get3A_442 = arith.index_cast %add3A_441 : i32 to index
      %get3A_443 = arith.constant 48 : index
      %get3A_444 = tpu.vector_load %arg8[%get3A_442, %get3A_443] {strides = array<i32>} : memref<64x128xf32, #tpu.memory_space<vmem>>, vector<1x16xf32>,
      %get3A_445 = vector.shape_cast %get3A_444 : vector<1x16xf32> to vector<16xf32>
      %swap3A_446 = arith.constant 3 : i32
      %swap3A_447 = arith.index_cast %swap3A_446 : i32 to index
      %swap3A_448 = arith.index_cast %add3A_439 : i32 to index
      %swap3A_449 = arith.constant 48 : index
      %swap3A_450 = tpu.vector_load %arg7[%swap3A_447, %swap3A_448, %swap3A_449] {strides = array<i32>} : memref<4x64x128xf32, #tpu.memory_space<vmem>>, vector<1x1x16xf32>,
      %swap3A_451 = vector.shape_cast %swap3A_450 : vector<1x1x16xf32> to vector<16xf32>
      %swap3A_452 = vector.shape_cast %get3A_445 : vector<16xf32> to vector<1x1x16xf32>
      tpu.vector_store %arg7[%swap3A_447, %swap3A_448, %swap3A_449], %swap3A_452 {add = true, strides = array<i32>} : memref<4x64x128xf32, #tpu.memory_space<vmem>>, vector<1x1x16xf32>,
      %add3A_453 = arith.constant 32 : i32
      %add3A_454 = arith.addi %add3A_453, %scan3A_394 : i32
      %add3A_455 = arith.constant 32 : i32
      %add3A_456 = arith.addi %add3A_455, %scan3A_394 : i32
      %get3A_457 = arith.index_cast %add3A_456 : i32 to index
      %get3A_458 = arith.constant 64 : index
      %get3A_459 = tpu.vector_load %arg8[%get3A_457, %get3A_458] {strides = array<i32>} : memref<64x128xf32, #tpu.memory_space<vmem>>, vector<1x16xf32>,
      %get3A_460 = vector.shape_cast %get3A_459 : vector<1x16xf32> to vector<16xf32>
      %swap3A_461 = arith.constant 3 : i32
      %swap3A_462 = arith.index_cast %swap3A_461 : i32 to index
      %swap3A_463 = arith.index_cast %add3A_454 : i32 to index
      %swap3A_464 = arith.constant 64 : index
      %swap3A_465 = tpu.vector_load %arg7[%swap3A_462, %swap3A_463, %swap3A_464] {strides = array<i32>} : memref<4x64x128xf32, #tpu.memory_space<vmem>>, vector<1x1x16xf32>,
      %swap3A_466 = vector.shape_cast %swap3A_465 : vector<1x1x16xf32> to vector<16xf32>
      %swap3A_467 = vector.shape_cast %get3A_460 : vector<16xf32> to vector<1x1x16xf32>
      tpu.vector_store %arg7[%swap3A_462, %swap3A_463, %swap3A_464], %swap3A_467 {add = true, strides = array<i32>} : memref<4x64x128xf32, #tpu.memory_space<vmem>>, vector<1x1x16xf32>,
      %add3A_468 = arith.constant 32 : i32
      %add3A_469 = arith.addi %add3A_468, %scan3A_394 : i32
      %add3A_470 = arith.constant 32 : i32
      %add3A_471 = arith.addi %add3A_470, %scan3A_394 : i32
      %get3A_472 = arith.index_cast %add3A_471 : i32 to index
      %get3A_473 = arith.constant 80 : index
      %get3A_474 = tpu.vector_load %arg8[%get3A_472, %get3A_473] {strides = array<i32>} : memref<64x128xf32, #tpu.memory_space<vmem>>, vector<1x16xf32>,
      %get3A_475 = vector.shape_cast %get3A_474 : vector<1x16xf32> to vector<16xf32>
      %swap3A_476 = arith.constant 3 : i32
      %swap3A_477 = arith.index_cast %swap3A_476 : i32 to index
      %swap3A_478 = arith.index_cast %add3A_469 : i32 to index
      %swap3A_479 = arith.constant 80 : index
      %swap3A_480 = tpu.vector_load %arg7[%swap3A_477, %swap3A_478, %swap3A_479] {strides = array<i32>} : memref<4x64x128xf32, #tpu.memory_space<vmem>>, vector<1x1x16xf32>,
      %swap3A_481 = vector.shape_cast %swap3A_480 : vector<1x1x16xf32> to vector<16xf32>
      %swap3A_482 = vector.shape_cast %get3A_475 : vector<16xf32> to vector<1x1x16xf32>
      tpu.vector_store %arg7[%swap3A_477, %swap3A_478, %swap3A_479], %swap3A_482 {add = true, strides = array<i32>} : memref<4x64x128xf32, #tpu.memory_space<vmem>>, vector<1x1x16xf32>,
      %add3A_483 = arith.constant 32 : i32
      %add3A_484 = arith.addi %add3A_483, %scan3A_394 : i32
      %add3A_485 = arith.constant 32 : i32
      %add3A_486 = arith.addi %add3A_485, %scan3A_394 : i32
      %get3A_487 = arith.index_cast %add3A_486 : i32 to index
      %get3A_488 = arith.constant 96 : index
      %get3A_489 = tpu.vector_load %arg8[%get3A_487, %get3A_488] {strides = array<i32>} : memref<64x128xf32, #tpu.memory_space<vmem>>, vector<1x16xf32>,
      %get3A_490 = vector.shape_cast %get3A_489 : vector<1x16xf32> to vector<16xf32>
      %swap3A_491 = arith.constant 3 : i32
      %swap3A_492 = arith.index_cast %swap3A_491 : i32 to index
      %swap3A_493 = arith.index_cast %add3A_484 : i32 to index
      %swap3A_494 = arith.constant 96 : index
      %swap3A_495 = tpu.vector_load %arg7[%swap3A_492, %swap3A_493, %swap3A_494] {strides = array<i32>} : memref<4x64x128xf32, #tpu.memory_space<vmem>>, vector<1x1x16xf32>,
      %swap3A_496 = vector.shape_cast %swap3A_495 : vector<1x1x16xf32> to vector<16xf32>
      %swap3A_497 = vector.shape_cast %get3A_490 : vector<16xf32> to vector<1x1x16xf32>
      tpu.vector_store %arg7[%swap3A_492, %swap3A_493, %swap3A_494], %swap3A_497 {add = true, strides = array<i32>} : memref<4x64x128xf32, #tpu.memory_space<vmem>>, vector<1x1x16xf32>,
      %add3A_498 = arith.constant 32 : i32
      %add3A_499 = arith.addi %add3A_498, %scan3A_394 : i32
      %add3A_500 = arith.constant 32 : i32
      %add3A_501 = arith.addi %add3A_500, %scan3A_394 : i32
      %get3A_502 = arith.index_cast %add3A_501 : i32 to index
      %get3A_503 = arith.constant 112 : index
      %get3A_504 = tpu.vector_load %arg8[%get3A_502, %get3A_503] {strides = array<i32>} : memref<64x128xf32, #tpu.memory_space<vmem>>, vector<1x16xf32>,
      %get3A_505 = vector.shape_cast %get3A_504 : vector<1x16xf32> to vector<16xf32>
      %swap3A_506 = arith.constant 3 : i32
      %swap3A_507 = arith.index_cast %swap3A_506 : i32 to index
      %swap3A_508 = arith.index_cast %add3A_499 : i32 to index
      %swap3A_509 = arith.constant 112 : index
      %swap3A_510 = tpu.vector_load %arg7[%swap3A_507, %swap3A_508, %swap3A_509] {strides = array<i32>} : memref<4x64x128xf32, #tpu.memory_space<vmem>>, vector<1x1x16xf32>,
      %swap3A_511 = vector.shape_cast %swap3A_510 : vector<1x1x16xf32> to vector<16xf32>
      %swap3A_512 = vector.shape_cast %get3A_505 : vector<16xf32> to vector<1x1x16xf32>
      tpu.vector_store %arg7[%swap3A_507, %swap3A_508, %swap3A_509], %swap3A_512 {add = true, strides = array<i32>} : memref<4x64x128xf32, #tpu.memory_space<vmem>>, vector<1x1x16xf32>,
    }
    %scan3A_295 = arith.constant 32 : i32
    %add3A_296 = arith.constant 32 : i32
    %add3A_297 = arith.addi %mul3A_2, %add3A_296 : i32
    %dma_start3A_298 = arith.constant 3 : i32
    %dma_start3A_299 = arith.constant 3 : i32
    %dma_start3A_300 = arith.constant 32 : i32
    %dma_start3A_301 = arith.constant 0 : i32
    %dma_start3A_302 = tpu.memref_slice %arg7[%dma_start3A_298, %dma_start3A_300, %dma_start3A_301] : memref<4x64x128xf32, #tpu.memory_space<vmem>> -> memref<1x32x128xf32, #tpu.memory_space<vmem>>
    %dma_start3A_303 = tpu.memref_squeeze %dma_start3A_302 : memref<1x32x128xf32, #tpu.memory_space<vmem>> -> memref<32x128xf32, #tpu.memory_space<vmem>>
    %dma_start3A_304 = arith.constant 0 : i32
    %dma_start3A_305 = tpu.memref_slice %arg5[%dma_start3A_299, %add3A_297, %dma_start3A_304] : memref<4x2048x128xf32, #tpu.memory_space<hbm>> -> memref<1x32x128xf32, #tpu.memory_space<hbm>>
    %dma_start3A_306 = tpu.memref_squeeze %dma_start3A_305 : memref<1x32x128xf32, #tpu.memory_space<hbm>> -> memref<32x128xf32, #tpu.memory_space<hbm>>
    %dma_start3A_307 = arith.constant 0 : i32
    %dma_start3A_308 = tpu.memref_slice %arg5[%dma_start3A_299, %add3A_297, %dma_start3A_307] : memref<4x2048x128xf32, #tpu.memory_space<hbm>> -> memref<1x32x128xf32, #tpu.memory_space<hbm>>
    %dma_start3A_309 = tpu.memref_squeeze %dma_start3A_308 : memref<1x32x128xf32, #tpu.memory_space<hbm>> -> memref<32x128xf32, #tpu.memory_space<hbm>>
    %dma_start3A_310 = arith.constant 32 : i32
    %dma_start3A_311 = arith.constant 0 : i32
    %dma_start3A_312 = tpu.memref_slice %arg7[%dma_start3A_298, %dma_start3A_310, %dma_start3A_311] : memref<4x64x128xf32, #tpu.memory_space<vmem>> -> memref<1x32x128xf32, #tpu.memory_space<vmem>>
    %dma_start3A_313 = tpu.memref_squeeze %dma_start3A_312 : memref<1x32x128xf32, #tpu.memory_space<vmem>> -> memref<32x128xf32, #tpu.memory_space<vmem>>
    tpu.enqueue_dma source(%dma_start3A_313 : memref<32x128xf32, #tpu.memory_space<vmem>>) target(%dma_start3A_309 : memref<32x128xf32, #tpu.memory_space<hbm>>) target_semaphore(%arg12 : memref<!tpu.dma_semaphore, #tpu.memory_space<semaphore_mem>>)
    %dma_wait3A_314 = arith.constant 0 : i32
    %dma_wait3A_315 = arith.constant 0 : i32
    %dma_wait3A_316 = arith.constant 0 : i32
    %dma_wait3A_317 = arith.constant 0 : i32
    %dma_wait3A_318 = tpu.memref_slice %arg7[%dma_wait3A_314, %dma_wait3A_316, %dma_wait3A_317] : memref<4x64x128xf32, #tpu.memory_space<vmem>> -> memref<1x64x128xf32, #tpu.memory_space<vmem>>
    %dma_wait3A_319 = tpu.memref_squeeze %dma_wait3A_318 : memref<1x64x128xf32, #tpu.memory_space<vmem>> -> memref<64x128xf32, #tpu.memory_space<vmem>>
    %dma_wait3A_320 = arith.constant 0 : i32
    %dma_wait3A_321 = tpu.memref_slice %arg5[%dma_wait3A_315, %mul3A_2, %dma_wait3A_320] : memref<4x2048x128xf32, #tpu.memory_space<hbm>> -> memref<1x64x128xf32, #tpu.memory_space<hbm>>
    %dma_wait3A_322 = tpu.memref_squeeze %dma_wait3A_321 : memref<1x64x128xf32, #tpu.memory_space<hbm>> -> memref<64x128xf32, #tpu.memory_space<hbm>>
    %dma_wait3A_323 = arith.constant 0 : i32
    %dma_wait3A_324 = tpu.memref_slice %arg5[%dma_wait3A_315, %mul3A_2, %dma_wait3A_323] : memref<4x2048x128xf32, #tpu.memory_space<hbm>> -> memref<1x64x128xf32, #tpu.memory_space<hbm>>
    %dma_wait3A_325 = tpu.memref_squeeze %dma_wait3A_324 : memref<1x64x128xf32, #tpu.memory_space<hbm>> -> memref<64x128xf32, #tpu.memory_space<hbm>>
    %dma_wait3A_326 = arith.constant 0 : i32
    %dma_wait3A_327 = arith.constant 0 : i32
    %dma_wait3A_328 = tpu.memref_slice %arg7[%dma_wait3A_314, %dma_wait3A_326, %dma_wait3A_327] : memref<4x64x128xf32, #tpu.memory_space<vmem>> -> memref<1x64x128xf32, #tpu.memory_space<vmem>>
    %dma_wait3A_329 = tpu.memref_squeeze %dma_wait3A_328 : memref<1x64x128xf32, #tpu.memory_space<vmem>> -> memref<64x128xf32, #tpu.memory_space<vmem>>
    tpu.wait_dma2 semaphore(%arg12 : memref<!tpu.dma_semaphore, #tpu.memory_space<semaphore_mem>>) src(%dma_wait3A_329 : memref<64x128xf32, #tpu.memory_space<vmem>>) dst(%dma_wait3A_325 : memref<64x128xf32, #tpu.memory_space<hbm>>)
    %dma_wait3A_330 = arith.constant 1 : i32
    %dma_wait3A_331 = arith.constant 1 : i32
    %dma_wait3A_332 = arith.constant 0 : i32
    %dma_wait3A_333 = arith.constant 0 : i32
    %dma_wait3A_334 = tpu.memref_slice %arg7[%dma_wait3A_330, %dma_wait3A_332, %dma_wait3A_333] : memref<4x64x128xf32, #tpu.memory_space<vmem>> -> memref<1x64x128xf32, #tpu.memory_space<vmem>>
    %dma_wait3A_335 = tpu.memref_squeeze %dma_wait3A_334 : memref<1x64x128xf32, #tpu.memory_space<vmem>> -> memref<64x128xf32, #tpu.memory_space<vmem>>
    %dma_wait3A_336 = arith.constant 0 : i32
    %dma_wait3A_337 = tpu.memref_slice %arg5[%dma_wait3A_331, %mul3A_2, %dma_wait3A_336] : memref<4x2048x128xf32, #tpu.memory_space<hbm>> -> memref<1x64x128xf32, #tpu.memory_space<hbm>>
    %dma_wait3A_338 = tpu.memref_squeeze %dma_wait3A_337 : memref<1x64x128xf32, #tpu.memory_space<hbm>> -> memref<64x128xf32, #tpu.memory_space<hbm>>
    %dma_wait3A_339 = arith.constant 0 : i32
    %dma_wait3A_340 = tpu.memref_slice %arg5[%dma_wait3A_331, %mul3A_2, %dma_wait3A_339] : memref<4x2048x128xf32, #tpu.memory_space<hbm>> -> memref<1x64x128xf32, #tpu.memory_space<hbm>>
    %dma_wait3A_341 = tpu.memref_squeeze %dma_wait3A_340 : memref<1x64x128xf32, #tpu.memory_space<hbm>> -> memref<64x128xf32, #tpu.memory_space<hbm>>
    %dma_wait3A_342 = arith.constant 0 : i32
    %dma_wait3A_343 = arith.constant 0 : i32
    %dma_wait3A_344 = tpu.memref_slice %arg7[%dma_wait3A_330, %dma_wait3A_342, %dma_wait3A_343] : memref<4x64x128xf32, #tpu.memory_space<vmem>> -> memref<1x64x128xf32, #tpu.memory_space<vmem>>
    %dma_wait3A_345 = tpu.memref_squeeze %dma_wait3A_344 : memref<1x64x128xf32, #tpu.memory_space<vmem>> -> memref<64x128xf32, #tpu.memory_space<vmem>>
    tpu.wait_dma2 semaphore(%arg12 : memref<!tpu.dma_semaphore, #tpu.memory_space<semaphore_mem>>) src(%dma_wait3A_345 : memref<64x128xf32, #tpu.memory_space<vmem>>) dst(%dma_wait3A_341 : memref<64x128xf32, #tpu.memory_space<hbm>>)
    %dma_wait3A_346 = arith.constant 2 : i32
    %dma_wait3A_347 = arith.constant 2 : i32
    %dma_wait3A_348 = arith.constant 0 : i32
    %dma_wait3A_349 = arith.constant 0 : i32
    %dma_wait3A_350 = tpu.memref_slice %arg7[%dma_wait3A_346, %dma_wait3A_348, %dma_wait3A_349] : memref<4x64x128xf32, #tpu.memory_space<vmem>> -> memref<1x64x128xf32, #tpu.memory_space<vmem>>
    %dma_wait3A_351 = tpu.memref_squeeze %dma_wait3A_350 : memref<1x64x128xf32, #tpu.memory_space<vmem>> -> memref<64x128xf32, #tpu.memory_space<vmem>>
    %dma_wait3A_352 = arith.constant 0 : i32
    %dma_wait3A_353 = tpu.memref_slice %arg5[%dma_wait3A_347, %mul3A_2, %dma_wait3A_352] : memref<4x2048x128xf32, #tpu.memory_space<hbm>> -> memref<1x64x128xf32, #tpu.memory_space<hbm>>
    %dma_wait3A_354 = tpu.memref_squeeze %dma_wait3A_353 : memref<1x64x128xf32, #tpu.memory_space<hbm>> -> memref<64x128xf32, #tpu.memory_space<hbm>>
    %dma_wait3A_355 = arith.constant 0 : i32
    %dma_wait3A_356 = tpu.memref_slice %arg5[%dma_wait3A_347, %mul3A_2, %dma_wait3A_355] : memref<4x2048x128xf32, #tpu.memory_space<hbm>> -> memref<1x64x128xf32, #tpu.memory_space<hbm>>
    %dma_wait3A_357 = tpu.memref_squeeze %dma_wait3A_356 : memref<1x64x128xf32, #tpu.memory_space<hbm>> -> memref<64x128xf32, #tpu.memory_space<hbm>>
    %dma_wait3A_358 = arith.constant 0 : i32
    %dma_wait3A_359 = arith.constant 0 : i32
    %dma_wait3A_360 = tpu.memref_slice %arg7[%dma_wait3A_346, %dma_wait3A_358, %dma_wait3A_359] : memref<4x64x128xf32, #tpu.memory_space<vmem>> -> memref<1x64x128xf32, #tpu.memory_space<vmem>>
    %dma_wait3A_361 = tpu.memref_squeeze %dma_wait3A_360 : memref<1x64x128xf32, #tpu.memory_space<vmem>> -> memref<64x128xf32, #tpu.memory_space<vmem>>
    tpu.wait_dma2 semaphore(%arg12 : memref<!tpu.dma_semaphore, #tpu.memory_space<semaphore_mem>>) src(%dma_wait3A_361 : memref<64x128xf32, #tpu.memory_space<vmem>>) dst(%dma_wait3A_357 : memref<64x128xf32, #tpu.memory_space<hbm>>)
    %dma_wait3A_362 = arith.constant 3 : i32
    %dma_wait3A_363 = arith.constant 3 : i32
    %dma_wait3A_364 = arith.constant 0 : i32
    %dma_wait3A_365 = arith.constant 0 : i32
    %dma_wait3A_366 = tpu.memref_slice %arg7[%dma_wait3A_362, %dma_wait3A_364, %dma_wait3A_365] : memref<4x64x128xf32, #tpu.memory_space<vmem>> -> memref<1x32x128xf32, #tpu.memory_space<vmem>>
    %dma_wait3A_367 = tpu.memref_squeeze %dma_wait3A_366 : memref<1x32x128xf32, #tpu.memory_space<vmem>> -> memref<32x128xf32, #tpu.memory_space<vmem>>
    %dma_wait3A_368 = arith.constant 0 : i32
    %dma_wait3A_369 = tpu.memref_slice %arg5[%dma_wait3A_363, %add3A_273, %dma_wait3A_368] : memref<4x2048x128xf32, #tpu.memory_space<hbm>> -> memref<1x32x128xf32, #tpu.memory_space<hbm>>
    %dma_wait3A_370 = tpu.memref_squeeze %dma_wait3A_369 : memref<1x32x128xf32, #tpu.memory_space<hbm>> -> memref<32x128xf32, #tpu.memory_space<hbm>>
    %dma_wait3A_371 = arith.constant 0 : i32
    %dma_wait3A_372 = tpu.memref_slice %arg5[%dma_wait3A_363, %add3A_273, %dma_wait3A_371] : memref<4x2048x128xf32, #tpu.memory_space<hbm>> -> memref<1x32x128xf32, #tpu.memory_space<hbm>>
    %dma_wait3A_373 = tpu.memref_squeeze %dma_wait3A_372 : memref<1x32x128xf32, #tpu.memory_space<hbm>> -> memref<32x128xf32, #tpu.memory_space<hbm>>
    %dma_wait3A_374 = arith.constant 0 : i32
    %dma_wait3A_375 = arith.constant 0 : i32
    %dma_wait3A_376 = tpu.memref_slice %arg7[%dma_wait3A_362, %dma_wait3A_374, %dma_wait3A_375] : memref<4x64x128xf32, #tpu.memory_space<vmem>> -> memref<1x32x128xf32, #tpu.memory_space<vmem>>
    %dma_wait3A_377 = tpu.memref_squeeze %dma_wait3A_376 : memref<1x32x128xf32, #tpu.memory_space<vmem>> -> memref<32x128xf32, #tpu.memory_space<vmem>>
    tpu.wait_dma2 semaphore(%arg12 : memref<!tpu.dma_semaphore, #tpu.memory_space<semaphore_mem>>) src(%dma_wait3A_377 : memref<32x128xf32, #tpu.memory_space<vmem>>) dst(%dma_wait3A_373 : memref<32x128xf32, #tpu.memory_space<hbm>>)
    %dma_wait3A_378 = arith.constant 3 : i32
    %dma_wait3A_379 = arith.constant 3 : i32
    %dma_wait3A_380 = arith.constant 32 : i32
    %dma_wait3A_381 = arith.constant 0 : i32
    %dma_wait3A_382 = tpu.memref_slice %arg7[%dma_wait3A_378, %dma_wait3A_380, %dma_wait3A_381] : memref<4x64x128xf32, #tpu.memory_space<vmem>> -> memref<1x32x128xf32, #tpu.memory_space<vmem>>
    %dma_wait3A_383 = tpu.memref_squeeze %dma_wait3A_382 : memref<1x32x128xf32, #tpu.memory_space<vmem>> -> memref<32x128xf32, #tpu.memory_space<vmem>>
    %dma_wait3A_384 = arith.constant 0 : i32
    %dma_wait3A_385 = tpu.memref_slice %arg5[%dma_wait3A_379, %add3A_297, %dma_wait3A_384] : memref<4x2048x128xf32, #tpu.memory_space<hbm>> -> memref<1x32x128xf32, #tpu.memory_space<hbm>>
    %dma_wait3A_386 = tpu.memref_squeeze %dma_wait3A_385 : memref<1x32x128xf32, #tpu.memory_space<hbm>> -> memref<32x128xf32, #tpu.memory_space<hbm>>
    %dma_wait3A_387 = arith.constant 0 : i32
    %dma_wait3A_388 = tpu.memref_slice %arg5[%dma_wait3A_379, %add3A_297, %dma_wait3A_387] : memref<4x2048x128xf32, #tpu.memory_space<hbm>> -> memref<1x32x128xf32, #tpu.memory_space<hbm>>
    %dma_wait3A_389 = tpu.memref_squeeze %dma_wait3A_388 : memref<1x32x128xf32, #tpu.memory_space<hbm>> -> memref<32x128xf32, #tpu.memory_space<hbm>>
    %dma_wait3A_390 = arith.constant 32 : i32
    %dma_wait3A_391 = arith.constant 0 : i32
    %dma_wait3A_392 = tpu.memref_slice %arg7[%dma_wait3A_378, %dma_wait3A_390, %dma_wait3A_391] : memref<4x64x128xf32, #tpu.memory_space<vmem>> -> memref<1x32x128xf32, #tpu.memory_space<vmem>>
    %dma_wait3A_393 = tpu.memref_squeeze %dma_wait3A_392 : memref<1x32x128xf32, #tpu.memory_space<vmem>> -> memref<32x128xf32, #tpu.memory_space<vmem>>
    tpu.wait_dma2 semaphore(%arg12 : memref<!tpu.dma_semaphore, #tpu.memory_space<semaphore_mem>>) src(%dma_wait3A_393 : memref<32x128xf32, #tpu.memory_space<vmem>>) dst(%dma_wait3A_389 : memref<32x128xf32, #tpu.memory_space<hbm>>)
    return
  }
}

</mosaic_0001>

<sc_bundles>
// kernel: kernel.3.cloned.1.call-start
scs
__scs_entry_jumppad:
0x0: {  	(pc) =	sbr.rel $0x88, $3  }
0x1: {  	(tag) =	ssettag $0x0;
	lr =	simm.s32 $0x1  }
0x2: {  	[smem:$0x3F9E] =	sst lr;
	_ =	strace $0xD0000000  }
0x3: {  	_ = 	snop  }
0x4: {  	_ = 	snop  }
0x5: {  	_ = 	snop  }
0x6: {  	_ = 	snop  }
0x7: {  	_ = 	snop  }
__scs_overlays_trampoline_lowered:
0x8: {  	[smem:$0x3FAD] =	sst s0  }
0x9: {  	[smem:$0x3FAE] =	sst s1  }
0xa: {  	[smem:$0x3FAF] =	sst s2  }
0xb: {  	[smem:$0x3FB0] =	sst s3  }
0xc: {  	[smem:$0x3FB1] =	sst s4  }
0xd: {  	[smem:$0x3FB2] =	sst s5  }
0xe: {  	[smem:$0x3FB3] =	sst s6  }
0xf: {  	[smem:$0x3FB4] =	sst s7  }
0x10: {  	[smem:$0x3FB5] =	sst s8  }
0x11: {  	[smem:$0x3FB6] =	sst s9;
	s0 =	simm.s32 @!p0 $0x0  }
0x12: {  	s1 =	sld [smem:$0x3F9C];
	s0 =	simm.s32 @p0 $0x1  }
0x13: {  	[smem:$0x3FB7] =	sst s0;
	s0 =	simm.s32 @!p1 $0x0  }
0x14: {  	s2 =	sld [smem:$0x3F9B];
	s0 =	simm.s32 @p1 $0x1  }
0x15: {  	[smem:$0x3FB8] =	sst s0;
	s0 =	simm.s32 @!p2 $0x0  }
0x16: {  	s3 =	sld [smem:$0x3FDB];
	s0 =	simm.s32 @p2 $0x1  }
0x17: {  	s4 =	simm.s32 $0x1BF5;
	[smem:$0x3FBA] =	sst s0  }
0x18: {  	s0 =	sld [smem:$0x3F9D];
	_ =	swait.ge [sflag:s4], $0x0  }
0x19: {  	s7 =	sld [smem:$0x3F9E]  }
0x1a: {  	s8 =	sadd.s32 $0xFFFFE003, lr  }
0x1b: {  	s9 =	sadd.s32 $0xFFFFFEF7, lr;
	s5 =	simm.s32 $0xFFFFFFFF;
	p2 =	slt.u32 s8, $0xFFFFF086  }
0x1c: {  	p1 =	slt.u32 s9, $0xF7A;
	s5 =	simm.s32 @!p2 $0x0  }
0x1d: {  	s5 =	simm.s32 @p1 $0x1;
	p0 =	seq.s32 s7, s2  }
0x1e: {  	s7 =	smul.u32 @!p0 $0xF7A, s2;
	p2 =	seq.s32 @!p0 s5, $0x0  }
0x1f: {  	s9 =	smul.u32 $0xF7A, s1;
	s8 =	simm.s32 @!p0 $0x1BF5;
	p2 =	por !p2, p0  }
0x20: {  	[sflag:s8] =	ssyncset.s32 @!p0 $0xFFFFF086;
	s6 =	sadd.s32 @!p0 s3, s7;
	s7 =	simm.s32 @!p0 $0x108  }
0x21: {  	s3 =	sadd.s32 s3, s9;
	s6 =	sadd.s32 @!p0 $0x88, s6;
	s7 =	simm.s32 @p2 $0x1082  }
0x22: {  	[simem:s7], [sflag:s8] =	dma.local @!p0 [hbm:s6], $0xF7A  }
0x23: {  	s9 =	sor.u32 $0xD0000000, s2;
	s6 =	simm.s32 $0x108;
	_ =	swait.ge @!p0 [sflag:s8], $0x0  }
0x24: {  	s3 =	sadd.s32 $0x88, s3;
	s6 =	simm.s32 @!p1 $0x1082;
	[sflag:s4] =	ssyncset.s32 $0xFFFFF086  }
0x25: {  	[simem:s6], [sflag:s4] =	dma.local [hbm:s3], $0xF7A  }
0x26: {  	[smem:$0x3F9E] =	sst s1;
	(tag) =	ssettag s2;
	_ =	strace s9  }
0x27: {  	s1 =	sld [smem:$0x3FAE]  }
0x28: {  	s2 =	sld [smem:$0x3FAF]  }
0x29: {  	s4 =	sld [smem:$0x3FB1]  }
0x2a: {  	p0 =	seq.s32 s5, $0x0;
	s5 =	sld [smem:$0x3FB2]  }
0x2b: {  	s6 =	sld [smem:$0x3FB3]  }
0x2c: {  	s7 =	sld [smem:$0x3FB4]  }
0x2d: {  	s3 =	simm.s32 $0x108;
	s8 =	sld [smem:$0x3FB5]  }
0x2e: {  	s3 =	simm.s32 @!p0 $0x1082;
	s9 =	sld [smem:$0x3FB6]  }
0x2f: {  	lr =	sadd.s32 s0, s3;
	s0 =	sld [smem:$0x3FAD]  }
0x30: {  	s3 =	sld [smem:$0x3FB0]  }
0x31: {  	[smem:$0x3FB9] =	sst s10  }
0x32: {  	s10 =	sld [smem:$0x3FB7];
	_ =	sdelay $0x3  }
0x33: {  	p0 =	seq.s32 s10, $0x1;
	s10 =	sld [smem:$0x3FB9];
	_ =	sdelay $0x3  }
0x34: {  	[smem:$0x3FB9] =	sst s10  }
0x35: {  	s10 =	sld [smem:$0x3FB8];
	_ =	sdelay $0x3  }
0x36: {  	p1 =	seq.s32 s10, $0x1;
	s10 =	sld [smem:$0x3FB9];
	_ =	sdelay $0x3  }
0x37: {  	[smem:$0x3FB9] =	sst s10  }
0x38: {  	s10 =	sld [smem:$0x3FBA]  }
0x39: {  	_ = 	snop;
	(pc) =	sbr.ind lr, $3  }
0x3a: {  	_ = 	snop  }
0x3b: {  	_ = 	snop  }
0x3c: {  	p2 =	seq.s32 s10, $0x1;
	s10 =	sld [smem:$0x3FB9]  }
0x3d: {  	_ =	shalt  }
0x3e: {  	_ =	shalt  }
0x3f: {  	_ =	shalt  }
0x40: {  	_ =	shalt  }
0x41: {  	_ =	shalt  }
0x42: {  	_ =	shalt  }
0x43: {  	_ =	shalt  }
0x44: {  	_ =	shalt  }
0x45: {  	_ =	shalt  }
0x46: {  	_ =	shalt  }
0x47: {  	_ =	shalt  }
0x48: {  	_ =	shalt  }
0x49: {  	_ =	shalt  }
0x4a: {  	_ =	shalt  }
0x4b: {  	_ =	shalt  }
0x4c: {  	_ =	shalt  }
0x4d: {  	_ =	shalt  }
0x4e: {  	_ =	shalt  }
0x4f: {  	_ =	shalt  }
0x50: {  	_ =	shalt  }
0x51: {  	_ =	shalt  }
0x52: {  	_ =	shalt  }
0x53: {  	_ =	shalt  }
0x54: {  	_ =	shalt  }
0x55: {  	_ =	shalt  }
0x56: {  	_ =	shalt  }
0x57: {  	_ =	shalt  }
0x58: {  	_ =	shalt  }
0x59: {  	_ =	shalt  }
0x5a: {  	_ =	shalt  }
0x5b: {  	_ =	shalt  }
0x5c: {  	_ =	shalt  }
0x5d: {  	_ =	shalt  }
0x5e: {  	_ =	shalt  }
0x5f: {  	_ =	shalt  }
0x60: {  	_ =	shalt  }
0x61: {  	_ =	shalt  }
0x62: {  	_ =	shalt  }
0x63: {  	_ =	shalt  }
0x64: {  	_ =	shalt  }
0x65: {  	_ =	shalt  }
0x66: {  	_ =	shalt  }
0x67: {  	_ =	shalt  }
0x68: {  	_ =	shalt  }
0x69: {  	_ =	shalt  }
0x6a: {  	_ =	shalt  }
0x6b: {  	_ =	shalt  }
0x6c: {  	_ =	shalt  }
0x6d: {  	_ =	shalt  }
0x6e: {  	_ =	shalt  }
0x6f: {  	_ =	shalt  }
0x70: {  	_ =	shalt  }
0x71: {  	_ =	shalt  }
0x72: {  	_ =	shalt  }
0x73: {  	_ =	shalt  }
0x74: {  	_ =	shalt  }
0x75: {  	_ =	shalt  }
0x76: {  	_ =	shalt  }
0x77: {  	_ =	shalt  }
0x78: {  	_ =	shalt  }
0x79: {  	_ =	shalt  }
0x7a: {  	_ =	shalt  }
0x7b: {  	_ =	shalt  }
0x7c: {  	_ =	shalt  }
0x7d: {  	_ =	shalt  }
0x7e: {  	_ =	shalt  }
0x7f: {  	_ =	shalt  }
0x80: {  	_ =	shalt  }
0x81: {  	_ =	shalt  }
0x82: {  	_ =	shalt  }
0x83: {  	_ =	shalt  }
0x84: {  	_ =	shalt  }
0x85: {  	_ =	shalt  }
0x86: {  	_ =	shalt  }
0x87: {  	_ =	shalt  }
.Lfunc_end0:
.L_simem_size_0:
called_computation_lowered:
.L_overlay_start_0:
0x88: {  	s2 =	sld [smem:$0x3FD9]  }
0x89: {  	s3 =	sld [smem:$0x3FFE];
	_ =	sdelay $0x1  }
0x8a: {  	s1 =	srdreg.scid  }
0x8b: {  	s0 =	sand.u32 $0x1, s1  }
0x8c: {  	s18 =	sshll.u32 s0, $0xA;
	s2 =	sadd.s32 s3, s2  }
0x8d: {  	s2 =	sadd.s32 s2, s18  }
0x8e: {  	[smem:$0x3FC5] =	sst s2  }
0x8f: {  	_ = 	snop  }
0x90: {  	s2 =	sld [smem:$0x3FC9]  }
0x91: {  	s19 =	sld [smem:$0x3FC8]  }
0x92: {  	s4 =	sld [smem:$0x3FC7]  }
0x93: {  	s5 =	sld [smem:$0x3FD0];
	(tm) =	ssettm $0x1  }
0x94: {  	s6 =	sld [smem:$0x3FFB];
	_ =	sdelay $0x3  }
0x95: {  	_ =	strace s6  }
0x96: {  	s6 =	sld [smem:$0x3FFC];
	_ =	sdelay $0x3  }
0x97: {  	_ =	strace s6  }
0x98: {  	s6 =	sld [smem:$0x3FFD];
	_ =	sdelay $0x3  }
0x99: {  	_ =	strace s6  }
0x9a: {  	_ =	strace $0x8FFFFFFF  }
0x9b: {  	s20 =	sld [smem:$0x3FDB];
	_ =	sdelay $0x1  }
0x9c: {  	s7 =	simm.s32 $_scs_section_size  }
0x9d: {  	s8 =	simm.s32 $_size__tile_overlayer_lowered;
	s9 =	simm.s32 $_tile_overlayer_lowered  }
0x9e: {  	s23 =	simm.s32 $0x1BFF;
	s22 =	sshll.u32 s9, $0x1;
	s6 =	sadd.s32 s7, s20  }
0x9f: {  	s10 =	simm.s32 $0x0;
	s21 =	sshll.u32 s8, $0x1;
	s8 =	sadd.s32 s22, s6  }
0xa0: {  	[timem:s10], [sflag:s23] =	dma.local [hbm:s8], s21  }
0xa1: {  	_ =	swait.ge [sflag:s23], s21  }
0xa2: {  	s7 =	ssub.s32 $0x0, s21;
	[sflag:s23] =	ssyncset.done $0x0  }
0xa3: {  	[sflag:s23] =	ssyncadd.s32 s7;
	_ =	sdelay $0x1  }
0xa4: {  	s24 =	simm.s32 $0x1B8B  }
0xa5: {  	_ =	swait.ge [sflag:s24], $0x1  }
0xa6: {  	[sflag:s24] =	ssyncset.done $0x0  }
0xa7: {  	s25 =	simm.s32 $0x1B8E;
	[sflag:s24] =	ssyncadd.s32 $0xFFFFFFFF  }
0xa8: {  	s26 =	simm.s32 $execute0_lowered;
	[smem:$0x3FD2] =	sst s25  }
0xa9: {  	s7 =	sshll.u32 s26, $0x1;
	_ =	strace $0x80000046;
	[dreg:$0x1] =	wrdreg $0xFFFFFFFF  }
0xaa: {  	s28 =	simm.s32 $_size_execute0_lowered;
	s6 =	sadd.s32 s6, s7;
	[dreg:$0x0] =	wrdreg $0x0  }
0xab: {  	s7 =	sshll.u32 s28, $0x1;
	[dreg:$0x2] =	wrdreg s6  }
0xac: {  	[dreg:$0x3] =	wrdreg s7  }
0xad: {  	[dreg:$0x4] =	wrdreg $0xC0  }
0xae: {  	_ =	task [dreg:s10], $0x5FFFF  }
0xaf: {  	[dreg:$0x1] =	wrdreg $0xFFFFFFFF  }
0xb0: {  	[dreg:$0x0] =	wrdreg $0x60  }
0xb1: {  	[dreg:$0x2] =	wrdreg s2  }
0xb2: {  	[dreg:$0x3] =	wrdreg s19  }
0xb3: {  	[dreg:$0x4] =	wrdreg s4  }
0xb4: {  	[dreg:$0x5] =	wrdreg s5  }
0xb5: {  	[dreg:$0x6] =	wrdreg $0x9  }
0xb6: {  	_ =	task.clear_ibuf [dreg:s10], $0x7FFFF;
	_ =	strace $0x90000046  }
0xb7: {  	s29 =	simm.s32 $0x9;
	_ =	strace $0x80000048  }
0xb8: {  	_ =	swait.ge [sflag:s29], $0x1  }
0xb9: {  	[sflag:s29] =	ssyncadd.s32 $0xFFFFFFFF  }
0xba: {  	_ =	strace $0x90000048  }
0xbb: {  	_ =	sfence  }
0xbc: {  	s30 =	sld [smem:$0x0];
	_ =	sdelay $0x2  }
0xbd: {  	s31 =	sshll.u32 s1, $0xD;
	s1 =	sshrl.u32 s1, $0x2  }
0xbe: {  	s3 =	sand.u32 $0x4000, s31;
	s1 =	sadd.s32 s1, s30  }
0xbf: {  	s0 =	sor.u32 s3, s0;
	s1 =	sshll.u32 s1, $0x11  }
0xc0: {  	s0 =	sor.u32 s1, s0  }
0xc1: {  	s0 =	sadd.s32 $0x8F2B, s0  }
0xc2: {  	[sflag:s0] =	ssyncadd.remote.s32 $0x1  }
0xc3: {  	_ =	sfence.sel $0xFFFF  }
0xc4: {  	[dreg:$0x0] =	wrdreg $0xFFFFFFFF;
	(pc) =	sbr.abs _section_cstart, $3  }
0xc5: {  	[dreg:$0x1] =	wrdreg $0xFFFFFFFF  }
0xc6: {  	_ =	task.clear_ibuf [dreg:s10], $0x2FFFF;
	_ =	strace $0x9FFFFFFF  }
0xc7: {  	(tm) =	ssettm $0x7FFFFFFF  }
tec
execute0_lowered:
.L_overlay_start_1:
0x0: {  	(tag) =	ssettag $0x1  }
0x1: {  	s2 =	rddreg [dreg:$0x0]  }
0x2: {  	s1 =	srdreg.scid;
	s9 =	rddreg [dreg:$0x2]  }
0x3: {  	s0 =	stileid.u32;
	s8 =	rddreg [dreg:$0x3];
	s15 =	simm.s32 $0x80  }
0x4: {  	s16 =	simm.s32 $0x100;
	s17 =	simm.s32 $0x180;
	s18 =	simm.s32 $0x8200  }
0x5: {  	s19 =	simm.s32 $0x1;
	s20 =	simm.s32 $0x40;
	s21 =	simm.s32 $0x200  }
0x6: {  	s22 =	simm.s32 $0x2200;
	s23 =	simm.s32 $0x4200;
	s28 =	simm.s32 $0x7200  }
0x7: {  	s29 =	simm.s32 $0x4;
	s30 =	simm.s32 $0x0;
	s4 =	sand.u32 $0x1, s1  }
0x8: {  	s1 =	rddreg [dreg:$0x1];
	s3 =	sshll.u32 s0, $0x7;
	s5 =	sshll.u32 s4, $0x6  }
0x9: {  	s11 =	ssub.s32 $0x2, s4;
	s6 =	sor.u32 s5, s3;
	s3 =	simm.s32 $0x0  }
0xa: {  	s25 =	sshrl.u32 s11, $0x1;
	s7 =	sshll.u32 s6, $0x2;
	[smem:$0x7FF] =	sst s3  }
0xb: {  	s14 =	ssub.s32 s11, s25;
	s31 =	sshll.u32 s6, $0x4;
	s25 =	simm.s32 $0x2  }
0xc: {  	s10 =	sand.u32 $0x1E00, s7;
	_ =	strace $0x80000047;
	s7 =	sor.u32 s5, s7  }
0xd: {  	s8 =	sadd.s32 s8, s31;
	s9 =	sadd.s32 s9, s31;
	s14 =	smax.u32 s14, $0x1  }
0xe: {  	s10 =	sor.u32 s5, s10;
	s7 =	sshrl.u32 s7, $0x3;
	s11 =	sadd.s32 $0x10000, s8  }
0xf: {  	s12 =	sadd.s32 $0x18000, s8;
	s13 =	sadd.s32 $0x18200, s8;
	s24 =	sshrl.u32 s10, $0x3  }
0x10: {  	s26 =	sor.u32 $0x20, s7;
	s7 =	sor.u32 $0x30, s7;
	s10 =	sadd.s32 $0x8000, s8  }
0x11: {  	s4 =	sadd.s32 s2, s24;
	s6 =	sadd.s32 s2, s26;
	s7 =	sadd.s32 s2, s7  }
0x12: {  	s24 =	simm.s32 $0x6200;
	s26 =	simm.s32 $0x3;
	s5 =	sadd.s32 $0x10, s4  }
.LBB2_1:
0x13: {  	[tilespmem:s3], [sflag:$0x1] =	stream.linear.gather [hbm4b:s4+s3], $0x40, $0x38;
	[tilespmem:$0xA200] =	vst v63  }
0x14: {  	_ = 	snop  }
0x15: {  	[tilespmem:s15], [sflag:$0x1] =	stream.linear.gather [hbm4b:s5+s3], $0x40, $0x38;
	[tilespmem:$0xA200] =	vst v63  }
0x16: {  	_ = 	snop  }
0x17: {  	[tilespmem:s16], [sflag:$0x1] =	stream.linear.gather [hbm4b:s6+s3], $0x40, $0x38;
	[tilespmem:$0xA200] =	vst v63  }
0x18: {  	_ = 	snop  }
0x19: {  	[tilespmem:s17], [sflag:$0x1] =	stream.linear.gather [hbm4b:s7+s3], $0x40, $0x38;
	[tilespmem:$0xA200] =	vst v63  }
0x1a: {  	_ = 	snop  }
0x1b: {  	[tilespmem:s18], [sflag:$0x2] =	stream.linear.gather [hbm4b:s9+s3], $0x2000, $0x38;
	[tilespmem:$0xA200] =	vst v63  }
0x1c: {  	_ =	swait.ge [sflag:s19], $0x40  }
0x1d: {  	[sflag:s19] =	ssyncset.done $0x0  }
0x1e: {  	[sflag:s19] =	ssyncadd.s32 $0xFFFFFFC0  }
0x1f: {  	[tilespmem:s21], [sflag:$0x3] =	stream.indirect.gather [hbm4b:s1+s20], $0x80, s3, s20, $0xb8;
	[tilespmem:$0xA200] =	vst v63  }
0x20: {  	_ =	swait.ge [sflag:s19], $0x40  }
0x21: {  	[sflag:s19] =	ssyncset.done $0x0  }
0x22: {  	[sflag:s19] =	ssyncadd.s32 $0xFFFFFFC0  }
0x23: {  	[tilespmem:s22], [sflag:$0x3] =	stream.indirect.gather [hbm4b:s1+s20], $0x80, s15, s20, $0xb8;
	[tilespmem:$0xA200] =	vst v63  }
0x24: {  	_ =	swait.ge [sflag:s19], $0x40  }
0x25: {  	[sflag:s19] =	ssyncset.done $0x0  }
0x26: {  	[sflag:s19] =	ssyncadd.s32 $0xFFFFFFC0  }
0x27: {  	[tilespmem:s23], [sflag:$0x3] =	stream.indirect.gather [hbm4b:s1+s20], $0x80, s16, s20, $0xb8;
	[tilespmem:$0xA200] =	vst v63  }
0x28: {  	_ =	swait.ge [sflag:s19], $0x40  }
0x29: {  	[sflag:s19] =	ssyncset.done $0x0  }
0x2a: {  	[sflag:s19] =	ssyncadd.s32 $0xFFFFFFC0  }
0x2b: {  	[tilespmem:s24], [sflag:$0x3] =	stream.indirect.gather [hbm4b:s1+s20], $0x80, s17, s20, $0xb8;
	[tilespmem:$0xA200] =	vst v63  }
0x2c: {  	_ =	swait.ge [sflag:s25], $0x2000  }
0x2d: {  	[sflag:s25] =	ssyncset.done $0x0  }
0x2e: {  	[sflag:s25] =	ssyncadd.s32 $0xFFFFE000  }
0x2f: {  	_ =	swait.ge [sflag:s26], $0x2000  }
0x30: {  	[sflag:s26] =	ssyncset.done $0x0  }
0x31: {  	s31 =	simm.s32 $0x0;
	s2 =	simm.s32 $0x200;
	[sflag:s26] =	ssyncadd.s32 $0xFFFFE000  }
.LBB2_2:
0x32: {  	p0 =	sne.s32 s2, $0x7E00;
	v0 =	vld [tilespmem:s31+$0x8270]  }
0x33: {  	v1 =	vld [tilespmem:s31+$0x8200]  }
0x34: {  	v2 =	vld [tilespmem:s31+$0x8210]  }
0x35: {  	v3 =	vld [tilespmem:s31+$0x8220]  }
0x36: {  	v4 =	vld [tilespmem:s31+$0x8230]  }
0x37: {  	[tilespmem:s31+$0x270] =	vst.add.f32.msk $0xffff, v0  }
0x38: {  	v0 =	vld [tilespmem:s31+$0x8240]  }
0x39: {  	v5 =	vld [tilespmem:s31+$0x8250]  }
0x3a: {  	v6 =	vld [tilespmem:s31+$0x8260]  }
0x3b: {  	[tilespmem:s31+$0x200] =	vst.add.f32.msk $0xffff, v1  }
0x3c: {  	[tilespmem:s31+$0x210] =	vst.add.f32.msk $0xffff, v2  }
.Ltmp0:
0x3d: {  	[tilespmem:s31+$0x220] =	vst.add.f32.msk $0xffff, v3;
	(pc) =	sbr.rel @p0 .LBB2_2-.Ltmp0, $4  }
0x3e: {  	[tilespmem:s31+$0x230] =	vst.add.f32.msk $0xffff, v4  }
0x3f: {  	[tilespmem:s31+$0x240] =	vst.add.f32.msk $0xffff, v0  }
0x40: {  	[tilespmem:s31+$0x250] =	vst.add.f32.msk $0xffff, v5  }
0x41: {  	[tilespmem:s31+$0x260] =	vst.add.f32.msk $0xffff, v6;
	s31 =	sshra.s32 s2, $0x2;
	s2 =	sadd.s32 $0x200, s2  }
0x42: {  	v0 =	vld [tilespmem:s31+$0x8270]  }
0x43: {  	v1 =	vld [tilespmem:s31+$0x8200]  }
0x44: {  	v2 =	vld [tilespmem:s31+$0x8210]  }
0x45: {  	v3 =	vld [tilespmem:s31+$0x8220]  }
0x46: {  	v4 =	vld [tilespmem:s31+$0x8230]  }
0x47: {  	v63 =	vld [tilespmem:s31+$0x8240]  }
0x48: {  	v5 =	vld [tilespmem:s31+$0x8250]  }
0x49: {  	v6 =	vld [tilespmem:s31+$0x8260]  }
0x4a: {  	[tilespmem:s31+$0x270] =	vst.add.f32.msk $0xffff, v0  }
0x4b: {  	[tilespmem:s31+$0x200] =	vst.add.f32.msk $0xffff, v1  }
0x4c: {  	[tilespmem:s31+$0x210] =	vst.add.f32.msk $0xffff, v2  }
0x4d: {  	[tilespmem:s31+$0x220] =	vst.add.f32.msk $0xffff, v3  }
0x4e: {  	[tilespmem:s31+$0x230] =	vst.add.f32.msk $0xffff, v4  }
0x4f: {  	[tilespmem:s31+$0x240] =	vst.add.f32.msk $0xffff, v63  }
0x50: {  	[tilespmem:s31+$0x250] =	vst.add.f32.msk $0xffff, v5  }
0x51: {  	s2 =	simm.s32 $0x0;
	[tilespmem:s31+$0x260] =	vst.add.f32.msk $0xffff, v6  }
0x52: {  	[hbm4b:s8+s2] =	stream.linear.scatter [tilespmem:s21], [sflag:$0x4], $0x2000, $0x38;
	[tilespmem:$0xA200] =	vst v63  }
0x53: {  	_ =	swait.ge [sflag:s26], $0x2000  }
0x54: {  	[sflag:s26] =	ssyncset.done $0x0  }
0x55: {  	s31 =	simm.s32 $0x0;
	s2 =	simm.s32 $0x200;
	[sflag:s26] =	ssyncadd.s32 $0xFFFFE000  }
.LBB2_4:
0x56: {  	p0 =	sne.s32 s2, $0x7E00;
	v0 =	vld [tilespmem:s31+$0x8270]  }
0x57: {  	v1 =	vld [tilespmem:s31+$0x8200]  }
0x58: {  	v2 =	vld [tilespmem:s31+$0x8210]  }
0x59: {  	v3 =	vld [tilespmem:s31+$0x8220]  }
0x5a: {  	v4 =	vld [tilespmem:s31+$0x8230]  }
0x5b: {  	[tilespmem:s31+$0x2270] =	vst.add.f32.msk $0xffff, v0  }
0x5c: {  	v0 =	vld [tilespmem:s31+$0x8240]  }
0x5d: {  	v5 =	vld [tilespmem:s31+$0x8250]  }
0x5e: {  	v6 =	vld [tilespmem:s31+$0x8260]  }
0x5f: {  	[tilespmem:s31+$0x2200] =	vst.add.f32.msk $0xffff, v1  }
0x60: {  	[tilespmem:s31+$0x2210] =	vst.add.f32.msk $0xffff, v2  }
.Ltmp1:
0x61: {  	[tilespmem:s31+$0x2220] =	vst.add.f32.msk $0xffff, v3;
	(pc) =	sbr.rel @p0 .LBB2_4-.Ltmp1, $4  }
0x62: {  	[tilespmem:s31+$0x2230] =	vst.add.f32.msk $0xffff, v4  }
0x63: {  	[tilespmem:s31+$0x2240] =	vst.add.f32.msk $0xffff, v0  }
0x64: {  	[tilespmem:s31+$0x2250] =	vst.add.f32.msk $0xffff, v5  }
0x65: {  	[tilespmem:s31+$0x2260] =	vst.add.f32.msk $0xffff, v6;
	s31 =	sshra.s32 s2, $0x2;
	s2 =	sadd.s32 $0x200, s2  }
0x66: {  	v0 =	vld [tilespmem:s31+$0x8270]  }
0x67: {  	v1 =	vld [tilespmem:s31+$0x8200]  }
0x68: {  	v2 =	vld [tilespmem:s31+$0x8210]  }
0x69: {  	v3 =	vld [tilespmem:s31+$0x8220]  }
0x6a: {  	v4 =	vld [tilespmem:s31+$0x8230]  }
0x6b: {  	v63 =	vld [tilespmem:s31+$0x8240]  }
0x6c: {  	v5 =	vld [tilespmem:s31+$0x8250]  }
0x6d: {  	v6 =	vld [tilespmem:s31+$0x8260]  }
0x6e: {  	[tilespmem:s31+$0x2270] =	vst.add.f32.msk $0xffff, v0  }
0x6f: {  	[tilespmem:s31+$0x2200] =	vst.add.f32.msk $0xffff, v1  }
0x70: {  	[tilespmem:s31+$0x2210] =	vst.add.f32.msk $0xffff, v2  }
0x71: {  	[tilespmem:s31+$0x2220] =	vst.add.f32.msk $0xffff, v3  }
0x72: {  	[tilespmem:s31+$0x2230] =	vst.add.f32.msk $0xffff, v4  }
0x73: {  	[tilespmem:s31+$0x2240] =	vst.add.f32.msk $0xffff, v63  }
0x74: {  	[tilespmem:s31+$0x2250] =	vst.add.f32.msk $0xffff, v5  }
0x75: {  	s2 =	simm.s32 $0x0;
	[tilespmem:s31+$0x2260] =	vst.add.f32.msk $0xffff, v6  }
0x76: {  	[hbm4b:s10+s2] =	stream.linear.scatter [tilespmem:s22], [sflag:$0x4], $0x2000, $0x38;
	[tilespmem:$0xA200] =	vst v63  }
0x77: {  	_ =	swait.ge [sflag:s26], $0x2000  }
0x78: {  	[sflag:s26] =	ssyncset.done $0x0  }
0x79: {  	s31 =	simm.s32 $0x0;
	s2 =	simm.s32 $0x200;
	[sflag:s26] =	ssyncadd.s32 $0xFFFFE000  }
.LBB2_6:
0x7a: {  	p0 =	sne.s32 s2, $0x7E00;
	v0 =	vld [tilespmem:s31+$0x8270]  }
0x7b: {  	v1 =	vld [tilespmem:s31+$0x8200]  }
0x7c: {  	v2 =	vld [tilespmem:s31+$0x8210]  }
0x7d: {  	v3 =	vld [tilespmem:s31+$0x8220]  }
0x7e: {  	v4 =	vld [tilespmem:s31+$0x8230]  }
0x7f: {  	[tilespmem:s31+$0x4270] =	vst.add.f32.msk $0xffff, v0  }
0x80: {  	v0 =	vld [tilespmem:s31+$0x8240]  }
0x81: {  	v5 =	vld [tilespmem:s31+$0x8250]  }
0x82: {  	v6 =	vld [tilespmem:s31+$0x8260]  }
0x83: {  	[tilespmem:s31+$0x4200] =	vst.add.f32.msk $0xffff, v1  }
0x84: {  	[tilespmem:s31+$0x4210] =	vst.add.f32.msk $0xffff, v2  }
.Ltmp2:
0x85: {  	[tilespmem:s31+$0x4220] =	vst.add.f32.msk $0xffff, v3;
	(pc) =	sbr.rel @p0 .LBB2_6-.Ltmp2, $4  }
0x86: {  	[tilespmem:s31+$0x4230] =	vst.add.f32.msk $0xffff, v4  }
0x87: {  	[tilespmem:s31+$0x4240] =	vst.add.f32.msk $0xffff, v0  }
0x88: {  	[tilespmem:s31+$0x4250] =	vst.add.f32.msk $0xffff, v5  }
0x89: {  	[tilespmem:s31+$0x4260] =	vst.add.f32.msk $0xffff, v6;
	s31 =	sshra.s32 s2, $0x2;
	s2 =	sadd.s32 $0x200, s2  }
0x8a: {  	v0 =	vld [tilespmem:s31+$0x8270]  }
0x8b: {  	v1 =	vld [tilespmem:s31+$0x8200]  }
0x8c: {  	v2 =	vld [tilespmem:s31+$0x8210]  }
0x8d: {  	v3 =	vld [tilespmem:s31+$0x8220]  }
0x8e: {  	v4 =	vld [tilespmem:s31+$0x8230]  }
0x8f: {  	v63 =	vld [tilespmem:s31+$0x8240]  }
0x90: {  	v5 =	vld [tilespmem:s31+$0x8250]  }
0x91: {  	v6 =	vld [tilespmem:s31+$0x8260]  }
0x92: {  	[tilespmem:s31+$0x4270] =	vst.add.f32.msk $0xffff, v0  }
0x93: {  	[tilespmem:s31+$0x4200] =	vst.add.f32.msk $0xffff, v1  }
0x94: {  	[tilespmem:s31+$0x4210] =	vst.add.f32.msk $0xffff, v2  }
0x95: {  	[tilespmem:s31+$0x4220] =	vst.add.f32.msk $0xffff, v3  }
0x96: {  	[tilespmem:s31+$0x4230] =	vst.add.f32.msk $0xffff, v4  }
0x97: {  	[tilespmem:s31+$0x4240] =	vst.add.f32.msk $0xffff, v63  }
0x98: {  	[tilespmem:s31+$0x4250] =	vst.add.f32.msk $0xffff, v5  }
0x99: {  	s2 =	simm.s32 $0x0;
	[tilespmem:s31+$0x4260] =	vst.add.f32.msk $0xffff, v6  }
0x9a: {  	[hbm4b:s11+s2] =	stream.linear.scatter [tilespmem:s23], [sflag:$0x4], $0x2000, $0x38;
	[tilespmem:$0xA200] =	vst v63  }
0x9b: {  	_ =	swait.ge [sflag:s26], $0x2000  }
0x9c: {  	[sflag:s26] =	ssyncset.done $0x0  }
0x9d: {  	s31 =	simm.s32 $0x0;
	s2 =	simm.s32 $0x200;
	[sflag:s26] =	ssyncadd.s32 $0xFFFFE000  }
.LBB2_8:
0x9e: {  	p0 =	sne.s32 s2, $0x3E00;
	v0 =	vld [tilespmem:s31+$0x8270]  }
0x9f: {  	v1 =	vld [tilespmem:s31+$0x8200]  }
0xa0: {  	v2 =	vld [tilespmem:s31+$0x8210]  }
0xa1: {  	v3 =	vld [tilespmem:s31+$0x8220]  }
0xa2: {  	v4 =	vld [tilespmem:s31+$0x8230]  }
0xa3: {  	[tilespmem:s31+$0x6270] =	vst.add.f32.msk $0xffff, v0  }
0xa4: {  	v0 =	vld [tilespmem:s31+$0x8240]  }
0xa5: {  	v5 =	vld [tilespmem:s31+$0x8250]  }
0xa6: {  	v6 =	vld [tilespmem:s31+$0x8260]  }
0xa7: {  	[tilespmem:s31+$0x6200] =	vst.add.f32.msk $0xffff, v1  }
0xa8: {  	[tilespmem:s31+$0x6210] =	vst.add.f32.msk $0xffff, v2  }
.Ltmp3:
0xa9: {  	[tilespmem:s31+$0x6220] =	vst.add.f32.msk $0xffff, v3;
	(pc) =	sbr.rel @p0 .LBB2_8-.Ltmp3, $4  }
0xaa: {  	[tilespmem:s31+$0x6230] =	vst.add.f32.msk $0xffff, v4  }
0xab: {  	[tilespmem:s31+$0x6240] =	vst.add.f32.msk $0xffff, v0  }
0xac: {  	[tilespmem:s31+$0x6250] =	vst.add.f32.msk $0xffff, v5  }
0xad: {  	[tilespmem:s31+$0x6260] =	vst.add.f32.msk $0xffff, v6;
	s31 =	sshra.s32 s2, $0x2;
	s2 =	sadd.s32 $0x200, s2  }
0xae: {  	v0 =	vld [tilespmem:s31+$0x8270]  }
0xaf: {  	v1 =	vld [tilespmem:s31+$0x8200]  }
0xb0: {  	v2 =	vld [tilespmem:s31+$0x8210]  }
0xb1: {  	v3 =	vld [tilespmem:s31+$0x8220]  }
0xb2: {  	v4 =	vld [tilespmem:s31+$0x8230]  }
0xb3: {  	v63 =	vld [tilespmem:s31+$0x8240]  }
0xb4: {  	v5 =	vld [tilespmem:s31+$0x8250]  }
0xb5: {  	v6 =	vld [tilespmem:s31+$0x8260]  }
0xb6: {  	[tilespmem:s31+$0x6270] =	vst.add.f32.msk $0xffff, v0  }
0xb7: {  	[tilespmem:s31+$0x6200] =	vst.add.f32.msk $0xffff, v1  }
0xb8: {  	[tilespmem:s31+$0x6210] =	vst.add.f32.msk $0xffff, v2  }
0xb9: {  	[tilespmem:s31+$0x6220] =	vst.add.f32.msk $0xffff, v3  }
0xba: {  	[tilespmem:s31+$0x6230] =	vst.add.f32.msk $0xffff, v4  }
0xbb: {  	[tilespmem:s31+$0x6240] =	vst.add.f32.msk $0xffff, v63  }
0xbc: {  	[tilespmem:s31+$0x6250] =	vst.add.f32.msk $0xffff, v5  }
0xbd: {  	s2 =	simm.s32 $0x0;
	[tilespmem:s31+$0x6260] =	vst.add.f32.msk $0xffff, v6  }
0xbe: {  	[hbm4b:s12+s2] =	stream.linear.scatter [tilespmem:s24], [sflag:$0x4], $0x1000, $0x38;
	[tilespmem:$0xA200] =	vst v63  }
0xbf: {  	s31 =	simm.s32 $0x0;
	s2 =	simm.s32 $0x200  }
.LBB2_10:
0xc0: {  	p0 =	sne.s32 s2, $0x3E00;
	v0 =	vld [tilespmem:s31+$0x9270]  }
0xc1: {  	v1 =	vld [tilespmem:s31+$0x9200]  }
0xc2: {  	v2 =	vld [tilespmem:s31+$0x9210]  }
0xc3: {  	v3 =	vld [tilespmem:s31+$0x9220]  }
0xc4: {  	v4 =	vld [tilespmem:s31+$0x9230]  }
0xc5: {  	[tilespmem:s31+$0x7270] =	vst.add.f32.msk $0xffff, v0  }
0xc6: {  	v0 =	vld [tilespmem:s31+$0x9240]  }
0xc7: {  	v5 =	vld [tilespmem:s31+$0x9250]  }
0xc8: {  	v6 =	vld [tilespmem:s31+$0x9260]  }
0xc9: {  	[tilespmem:s31+$0x7200] =	vst.add.f32.msk $0xffff, v1  }
0xca: {  	[tilespmem:s31+$0x7210] =	vst.add.f32.msk $0xffff, v2  }
.Ltmp4:
0xcb: {  	[tilespmem:s31+$0x7220] =	vst.add.f32.msk $0xffff, v3;
	(pc) =	sbr.rel @p0 .LBB2_10-.Ltmp4, $4  }
0xcc: {  	[tilespmem:s31+$0x7230] =	vst.add.f32.msk $0xffff, v4  }
0xcd: {  	[tilespmem:s31+$0x7240] =	vst.add.f32.msk $0xffff, v0  }
0xce: {  	[tilespmem:s31+$0x7250] =	vst.add.f32.msk $0xffff, v5  }
0xcf: {  	[tilespmem:s31+$0x7260] =	vst.add.f32.msk $0xffff, v6;
	s31 =	sshra.s32 s2, $0x2;
	s2 =	sadd.s32 $0x200, s2  }
0xd0: {  	v0 =	vld [tilespmem:s31+$0x9270]  }
0xd1: {  	v1 =	vld [tilespmem:s31+$0x9200]  }
0xd2: {  	v2 =	vld [tilespmem:s31+$0x9210]  }
0xd3: {  	v3 =	vld [tilespmem:s31+$0x9220]  }
0xd4: {  	v4 =	vld [tilespmem:s31+$0x9230]  }
0xd5: {  	v63 =	vld [tilespmem:s31+$0x9240]  }
0xd6: {  	v5 =	vld [tilespmem:s31+$0x9250]  }
0xd7: {  	v6 =	vld [tilespmem:s31+$0x9260]  }
0xd8: {  	[tilespmem:s31+$0x7270] =	vst.add.f32.msk $0xffff, v0  }
0xd9: {  	[tilespmem:s31+$0x7200] =	vst.add.f32.msk $0xffff, v1  }
0xda: {  	[tilespmem:s31+$0x7210] =	vst.add.f32.msk $0xffff, v2  }
0xdb: {  	[tilespmem:s31+$0x7220] =	vst.add.f32.msk $0xffff, v3  }
0xdc: {  	[tilespmem:s31+$0x7230] =	vst.add.f32.msk $0xffff, v4  }
0xdd: {  	[tilespmem:s31+$0x7240] =	vst.add.f32.msk $0xffff, v63  }
0xde: {  	[tilespmem:s31+$0x7250] =	vst.add.f32.msk $0xffff, v5  }
0xdf: {  	[tilespmem:s31+$0x7260] =	vst.add.f32.msk $0xffff, v6  }
0xe0: {  	[hbm4b:s13+s3] =	stream.linear.scatter [tilespmem:s28], [sflag:$0x4], $0x1000, $0x38;
	[tilespmem:$0xA200] =	vst v63  }
0xe1: {  	_ =	swait.ge [sflag:s29], $0x2000  }
0xe2: {  	[sflag:s29] =	ssyncset.done $0x0  }
0xe3: {  	[sflag:s29] =	ssyncadd.s32 $0xFFFFE000  }
0xe4: {  	_ =	swait.ge [sflag:s29], $0x2000  }
0xe5: {  	[sflag:s29] =	ssyncset.done $0x0  }
0xe6: {  	[sflag:s29] =	ssyncadd.s32 $0xFFFFE000  }
0xe7: {  	_ =	swait.ge [sflag:s29], $0x2000  }
0xe8: {  	[sflag:s29] =	ssyncset.done $0x0  }
0xe9: {  	s30 =	sadd.s32 $0x1, s30;
	[sflag:s29] =	ssyncadd.s32 $0xFFFFE000  }
0xea: {  	p0 =	sne.s32 s30, s14;
	_ =	swait.ge [sflag:s29], $0x1000  }
.Ltmp5:
0xeb: {  	[sflag:s29] =	ssyncset.done $0x0;
	(pc) =	sbr.rel @p0 .LBB2_1-.Ltmp5, $4  }
0xec: {  	[sflag:s29] =	ssyncadd.s32 $0xFFFFF000  }
0xed: {  	_ =	swait.ge [sflag:s29], $0x1000  }
0xee: {  	[sflag:s29] =	ssyncset.done $0x0  }
0xef: {  	[sflag:s29] =	ssyncadd.s32 $0xFFFFF000  }
0xf0: {  	_ =	sfence.sel $0x180000  }
0xf1: {  	[bflag:$0x0] =	sbarrier.arrive $0xFFFF  }
0xf2: {  	_ =	strace $0x90000047  }
0xf3: {  	[bflag:$0x2] =	sbarrier.arrive $0xFFFF  }
0xf4: {  	p0 =	sne.s32 s0, $0x0;
	s0 =	rddreg [dreg:$0x4]  }
0xf5: {  	s0 =	sadd.s32 @!p0 $0x100000, s0  }
0xf6: {  	[sflag:s0] =	ssyncadd.tile.s32 @!p0 $0x1;
	_ =	shalt  }
.Lfunc_end2:
_tile_overlayer_lowered:
.L_overlay_start_2:
0xf7: {  	(tag) =	ssettag $0x2  }
0xf8: {  	s0 =	rddreg [dreg:$0x0];
	s2 =	stileid.u32  }
0xf9: {  	s1 =	rddreg [dreg:$0x1];
	p0 =	sne.s32 s2, $0x0  }
0xfa: {  	s3 =	rddreg [dreg:$0x2];
	[bflag:$0x3] =	sbarrier.arrive $0xFFFF;
	s2 =	simm.s32 @!p0 $0x1C05  }
0xfb: {  	[timem:s3], [sflag:s2] =	dma.local @!p0 [hbm:s0], s1  }
0xfc: {  	s0 =	simm.s32 @!p0 $0x5  }
0xfd: {  	_ =	swait.ge @!p0 [sflag:s0], s1  }
0xfe: {  	s1 =	ssub.s32 @!p0 $0x0, s1;
	[sflag:s0] =	ssyncset.done @!p0 $0x0  }
0xff: {  	[sflag:s0] =	ssyncadd.s32 @!p0 s1  }
0x100: {  	[bflag:$0x3] =	sbarrier.arrive $0xFFFF  }
0x101: {  	_ =	shalt  }

</sc_bundles>
